<compile_context>
chip_gen: v7x
topology: tpu7x:2x2x1
jax: 0.10.2.dev20260603
libtpu: 0.0.44.dev20260713+nightly
codegen_flags: <defaults>
</compile_context>

<pallas_src>
import jax
import jax.numpy as jnp
from jax import lax
from jax.experimental import pallas as pl
from jax.experimental.pallas import tpu as pltpu, tpu_sc as plsc

_RADIUS = 0.2
_NSAMPLE = 32
_B, _N, _NPOINT, _C = 8, 8192, 1024, 64
_NS_TOT = _NSAMPLE + 1
_FLAT = _NPOINT * _NS_TOT
_NCH = 2 * 3 + _C

_NC, _NSUB, _L = 2, 16, 16
_NW = _NC * _NSUB
_WPB = _NW // _B
_JPW = _NPOINT // _WPB
_FL2 = _JPW * _NS_TOT

_i32 = jnp.int32
_BLK = 256
_GU = 8


def _lane_iota():
    return lax.broadcasted_iota(_i32, (_L,), 0)


def _fused_body(xyzt, newt, fps, feat, out,
                xyz_v, new_v, fps_v, idx_v, buf, tbl0, tbl1, ob0, ob1,
                si0, si1, so0, so1):
    wid = lax.axis_index("s") * _NC + lax.axis_index("c")
    b = wid // _WPB
    j0 = (wid % _WPB) * _JPW
    f0 = j0 * _NS_TOT

    for d in range(3):
        pltpu.sync_copy(xyzt.at[pl.ds((b * 3 + d) * _N, _N)],
                        xyz_v.at[pl.ds(d * _N, _N)])
        pltpu.sync_copy(newt.at[pl.ds((b * 3 + d) * _NPOINT + j0, _JPW)],
                        new_v.at[pl.ds(d * _JPW, _JPW)])
    pltpu.sync_copy(fps.at[pl.ds(b * _NPOINT + j0, _JPW)], fps_v)

    lane = _lane_iota()
    zeros = jnp.zeros((_L,), _i32)
    ones = jnp.ones((_L,), _i32)
    r2 = jnp.float32(_RADIUS * _RADIUS)

    def per_centroid(j, carry):
        jv = jnp.full((_L,), j, _i32)
        cx = plsc.load_gather(new_v, [jv])
        cy = plsc.load_gather(new_v, [jv + _JPW])
        cz = plsc.load_gather(new_v, [jv + 2 * _JPW])

        def cond(state):
            n, cntv = state
            return jnp.logical_and(jnp.max(cntv) < _NSAMPLE, n < _N)

        def body(state):
            n, cntv = state

            def chunk(rel, off):
                base = n + rel
                xs = xyz_v[pl.ds(base, _L)]
                ys = xyz_v[pl.ds(_N + base, _L)]
                zs = xyz_v[pl.ds(2 * _N + base, _L)]
                dx = xs - cx
                dy = ys - cy
                dz = zs - cz
                d2 = (dx * dx + dy * dy) + dz * dz
                mask = d2 < r2
                pos = off + plsc.cumsum(ones, mask=mask) - 1
                plsc.store_scatter(buf, [pos], lane + base, mask=mask)
                return off + plsc.all_reduce_population_count(mask)

            off = plsc.parallel_loop(0, _BLK, step=_L, unroll=_BLK // _L,
                                     carry=cntv)(chunk)
            return n + _BLK, off

        _, cntv = lax.while_loop(
            cond, body, (jnp.int32(0), jnp.zeros((_L,), _i32)))

        firstv = plsc.load_gather(buf, [zeros])
        firstv = jnp.where(cntv > 0, firstv, zeros)
        fpsv = plsc.load_gather(fps_v, [jv])
        base = j * _NS_TOT
        basev = jnp.full((_L,), base, _i32)
        plsc.store_scatter(idx_v, [basev], fpsv, mask=lane == 0)
        for g in range(2):
            bv = buf[pl.ds(g * _L, _L)]
            vals = jnp.where(lane + g * _L < cntv, bv, firstv)
            plsc.store_scatter(idx_v, [basev + 1 + g * _L + lane], vals)
        return carry

    lax.fori_loop(0, _JPW, per_centroid, jnp.int32(0))

    def feat_src(ch):
        return feat.at[pl.ds((b * _C + ch - 6) * _N, _N)]

    def out_dst(ch):
        return out.at[b, ch, pl.ds(j0, _JPW), :]

    def gather_loop(ob, tbl_off, center, src_ref):
        def chunk(k):
            iv = idx_v[pl.ds(k, _L)]
            if tbl_off:
                iv = iv + tbl_off
            vals = plsc.load_gather(src_ref, [iv])
            flat = jnp.full((_L,), k, _i32) + lane
            jv = lax.div(flat, jnp.full((_L,), _NS_TOT, _i32))
            if center:
                vals = vals - plsc.load_gather(new_v, [jv + tbl_off // _N * _JPW])
            plsc.store_scatter(ob, [jv, flat - jv * _NS_TOT], vals)

        plsc.parallel_loop(0, _FL2, step=_L, unroll=_GU)(chunk)

    pltpu.async_copy(feat_src(6), tbl0, si0)
    pltpu.async_copy(feat_src(7), tbl1, si1)

    for d in range(3):
        gather_loop(ob0, d * _N, True, xyz_v)
        pltpu.sync_copy(ob0, out_dst(d))
        pltpu.sync_copy(ob0, out_dst(d + 3))

    def pair(t, carry):
        ch0 = 6 + 2 * t
        for (tbl, si, ob, so, ch) in ((tbl0, si0, ob0, so0, ch0),
                                      (tbl1, si1, ob1, so1, ch0 + 1)):
            pltpu.make_async_copy(feat_src(ch), tbl, si).wait()

            @pl.when(t > 0)
            def _():
                pltpu.make_async_copy(ob, out_dst(ch - 2), so).wait()

            gather_loop(ob, 0, False, tbl)

            @pl.when(t < (_C // 2 - 1))
            def _():
                pltpu.async_copy(feat_src(ch + 2), tbl, si)

            pltpu.async_copy(ob, out_dst(ch), so)
        return carry

    lax.fori_loop(0, _C // 2, pair, jnp.int32(0))
    pltpu.make_async_copy(ob0, out_dst(_NCH - 2), so0).wait()
    pltpu.make_async_copy(ob1, out_dst(_NCH - 1), so1).wait()


@jax.jit
def kernel(xyz, new_xyz, features, fps_idx):
    xyzt = jnp.transpose(xyz, (0, 2, 1)).reshape(-1)
    newt = jnp.transpose(new_xyz, (0, 2, 1)).reshape(-1)
    feat = features.reshape(-1)
    fps = fps_idx.reshape(-1)
    mesh = plsc.VectorSubcoreMesh(core_axis_name="c", subcore_axis_name="s")

    fused = pl.kernel(
        _fused_body,
        out_type=jax.ShapeDtypeStruct((_B, _NCH, _NPOINT, _NS_TOT),
                                      jnp.float32),
        mesh=mesh,
        compiler_params=pltpu.CompilerParams(needs_layout_passes=False),
        scratch_types=[
            pltpu.VMEM((3 * _N,), jnp.float32),
            pltpu.VMEM((3 * _JPW,), jnp.float32),
            pltpu.VMEM((_JPW,), _i32),
            pltpu.VMEM((_FL2,), _i32),
            pltpu.VMEM((_NSAMPLE + _BLK,), _i32),
            pltpu.VMEM((_N,), jnp.float32),
            pltpu.VMEM((_N,), jnp.float32),
            pltpu.VMEM((_JPW, _NS_TOT), jnp.float32),
            pltpu.VMEM((_JPW, _NS_TOT), jnp.float32),
            pltpu.SemaphoreType.DMA,
            pltpu.SemaphoreType.DMA,
            pltpu.SemaphoreType.DMA,
            pltpu.SemaphoreType.DMA,
        ],
    )
    return fused(xyzt, newt, fps, feat)

# --- scband reference (transcript-rebuilt; emitter-appended) ---
"""Pipeline reference for scband-query-and-group-38800734552431 (READ-ONLY COPY).

The authoritative reference and input builder live on the scoring server;
editing this copy changes nothing except your own understanding.
"""

import jax, jax.numpy as jnp
import numpy as np

RADIUS = 0.2
NSAMPLE = 32


def setup_inputs(seed: int = 0) -> dict:
    key = jax.random.key(seed)
    k1, k2, k3 = jax.random.split(key, 3)
    B, N, NPOINT, C = 8, 8192, 1024, 64
    xyz = jax.random.uniform(k1, (B, N, 3), dtype=jnp.float32)
    fps_idx = jax.random.randint(k2, (B, NPOINT), 0, N, dtype=jnp.int32)
    # centroids are actual points selected by fps_idx (as in FPS sampling)
    new_xyz = jnp.take_along_axis(xyz, fps_idx[:, :, None].astype(jnp.int32), axis=1)
    features = jax.random.normal(k3, (B, C, N), dtype=jnp.float32)
    return {"xyz": xyz, "new_xyz": new_xyz, "features": features, "fps_idx": fps_idx}


def _ball_query(radius, nsample, xyz, new_xyz):
    # xyz: (B, N, 3), new_xyz: (B, npoint, 3) -> idx (B, npoint, nsample)
    B, N, _ = xyz.shape
    d2 = jnp.sum((new_xyz[:, :, None, :] - xyz[:, None, :, :]) ** 2, axis=-1)
    arange = jnp.arange(N, dtype=jnp.int32)[None, None, :]
    scores = jnp.where(d2 < radius * radius, arange, jnp.int32(N))
    # first `nsample` in-ball indices in index order (CUDA ball_query semantics)
    neg_vals, _ = jax.lax.top_k(-scores, nsample)
    idx = -neg_vals
    first = idx[..., :1]
    idx = jnp.where(idx >= N, first, idx)  # pad empties with first found index
    idx = jnp.where(idx >= N, 0, idx)      # degenerate: no neighbor at all
    return idx.astype(jnp.int32)


def _grouping(features, idx):
    # features: (B, C, N), idx: (B, npoint, ns) -> (B, C, npoint, ns)
    return jnp.take_along_axis(features[:, :, None, :], idx[:, None, :, :], axis=3)


def reference(xyz, new_xyz, features, fps_idx):
    ball_idx = _ball_query(RADIUS, NSAMPLE, xyz, new_xyz)
    # BallQuery.forward concatenates fps_idx in front -> (B, npoint, nsample+1)
    idx = jnp.concatenate([fps_idx[:, :, None], ball_idx], axis=2)
    idx = jax.lax.stop_gradient(idx)
    xyz_trans = jnp.transpose(xyz, (0, 2, 1))
    grouped_xyz = _grouping(xyz_trans, idx)
    # torch does in-place `grouped_xyz -= ...`; raw_grouped_xyz aliases it, so
    # BOTH tensors end up centered.
    grouped_xyz = grouped_xyz - jnp.transpose(new_xyz, (0, 2, 1))[:, :, :, None]
    raw_grouped_xyz = grouped_xyz
    grouped_features = _grouping(features, idx)
    # use_xyz=True and features is not None
    new_features = jnp.concatenate([raw_grouped_xyz, grouped_xyz, grouped_features], axis=1)
    return new_features

if __name__ == "__main__":
    import jax
    _d = setup_inputs()
    print(jax.jit(kernel)(*tuple(_d.values())))

</pallas_src>

<mosaic_0001>
#map = affine_map<(d0, d1) -> (0)>
#map1 = affine_map<(d0, d1) -> (0, 0, 0, 0)>
module attributes {stable_mosaic.version = 14 : i64} {
  func.func @_fused_body(%arg0: i32, %arg1: i32, %arg2: memref<196608xf32, #tpu.memory_space<hbm>>, %arg3: memref<24576xf32, #tpu.memory_space<hbm>>, %arg4: memref<8192xi32, #tpu.memory_space<hbm>>, %arg5: memref<4194304xf32, #tpu.memory_space<hbm>>, %arg6: memref<8x70x1024x33xf32, #tpu.memory_space<hbm>>, %arg7: memref<24576xf32, #tpu.memory_space<vmem>>, %arg8: memref<768xf32, #tpu.memory_space<vmem>>, %arg9: memref<256xi32, #tpu.memory_space<vmem>>, %arg10: memref<8448xi32, #tpu.memory_space<vmem>>, %arg11: memref<288xi32, #tpu.memory_space<vmem>>, %arg12: memref<8192xf32, #tpu.memory_space<vmem>>, %arg13: memref<8192xf32, #tpu.memory_space<vmem>>, %arg14: memref<256x33xf32, #tpu.memory_space<vmem>>, %arg15: memref<256x33xf32, #tpu.memory_space<vmem>>, %arg16: memref<!tpu.dma_semaphore, #tpu.memory_space<semaphore_mem>>, %arg17: memref<!tpu.dma_semaphore, #tpu.memory_space<semaphore_mem>>, %arg18: memref<!tpu.dma_semaphore, #tpu.memory_space<semaphore_mem>>, %arg19: memref<!tpu.dma_semaphore, #tpu.memory_space<semaphore_mem>>) attributes {dimension_semantics = [#tpu.dimension_semantics<core_parallel>, #tpu.dimension_semantics<subcore_parallel>], iteration_bounds = array<i64: 2, 16>, scalar_prefetch = 0 : i64, scratch_operands = 13 : i64, tpu.core_type = #tpu.core_type<sc_vector_subcore>, window_params = [{transform_indices = #map}, {transform_indices = #map}, {transform_indices = #map}, {transform_indices = #map}, {transform_indices = #map1}]} {
    %mul3A = arith.constant 2 : i32
    %mul3A_0 = arith.muli %arg1, %mul3A : i32
    %add3A = arith.addi %mul3A_0, %arg0 : i32
    %jit3A = arith.constant 4 : i32
    %div3A = arith.divsi %add3A, %jit3A : i32
    %sign3A = arith.constant 0 : i32
    %sign3A_1 = arith.cmpi sgt, %add3A, %sign3A : i32
    %sign3A_2 = arith.extui %sign3A_1 : i1 to i32
    %sign3A_3 = arith.constant 0 : i32
    %sign3A_4 = arith.cmpi slt, %add3A, %sign3A_3 : i32
    %sign3A_5 = arith.extui %sign3A_4 : i1 to i32
    %sign3A_6 = arith.subi %sign3A_2, %sign3A_5 : i32
    %sign3A_7 = arith.constant 0 : i32
    %sign3A_8 = arith.cmpi sgt, %jit3A, %sign3A_7 : i32
    %sign3A_9 = arith.extui %sign3A_8 : i1 to i32
    %sign3A_10 = arith.constant 0 : i32
    %sign3A_11 = arith.cmpi slt, %jit3A, %sign3A_10 : i32
    %sign3A_12 = arith.extui %sign3A_11 : i1 to i32
    %sign3A_13 = arith.subi %sign3A_9, %sign3A_12 : i32
    %ne3A = arith.cmpi ne, %sign3A_6, %sign3A_13 : i32
    %rem3A = arith.remsi %add3A, %jit3A : i32
    %ne3A_14 = arith.constant 0 : i32
    %ne3A_15 = arith.cmpi ne, %rem3A, %ne3A_14 : i32
    %and3A = arith.andi %ne3A, %ne3A_15 : i1
    %sub3A = arith.constant 1 : i32
    %sub3A_16 = arith.subi %div3A, %sub3A : i32
    %select_n3A = arith.select %and3A, %sub3A_16, %div3A : i32
    %jit3A_17 = arith.constant 4 : i32
    %eq3A = arith.constant 0 : i32
    %eq3A_18 = arith.cmpi eq, %jit3A_17, %eq3A : i32
    %jit3A_19 = arith.constant 1 : i32
    %select_n3A_20 = arith.select %eq3A_18, %jit3A_19, %jit3A_17 : i32
    %rem3A_21 = arith.remsi %add3A, %select_n3A_20 : i32
    %ne3A_22 = arith.constant 0 : i32
    %ne3A_23 = arith.cmpi ne, %rem3A_21, %ne3A_22 : i32
    %lt3A = arith.constant 0 : i32
    %lt3A_24 = arith.cmpi slt, %rem3A_21, %lt3A : i32
    %lt3A_25 = arith.constant 0 : i32
    %lt3A_26 = arith.cmpi slt, %select_n3A_20, %lt3A_25 : i32
    %ne3A_27 = arith.xori %lt3A_24, %lt3A_26 : i1
    %and3A_28 = arith.andi %ne3A_27, %ne3A_23 : i1
    %add3A_29 = arith.addi %rem3A_21, %select_n3A_20 : i32
    %select_n3A_30 = arith.select %and3A_28, %add3A_29, %rem3A_21 : i32
    %mul3A_31 = arith.constant 256 : i32
    %mul3A_32 = arith.muli %select_n3A_30, %mul3A_31 : i32
    %mul3A_33 = arith.constant 33 : i32
    %mul3A_34 = arith.muli %mul3A_32, %mul3A_33 : i32
    %mul3A_35 = arith.constant 3 : i32
    %mul3A_36 = arith.muli %select_n3A, %mul3A_35 : i32
    %add3A_37 = arith.constant 0 : i32
    %add3A_38 = arith.addi %mul3A_36, %add3A_37 : i32
    %mul3A_39 = arith.constant 8192 : i32
    %mul3A_40 = arith.muli %add3A_38, %mul3A_39 : i32
    "tpu.region"() ({
      %run_scoped3A_137 = tpu.sem_alloc : memref<!tpu.dma_semaphore, #tpu.memory_space<semaphore_mem>>
      %dma_start3A_138 = arith.constant 0 : i32
      %dma_start3A_139 = tpu.memref_slice %arg7[%dma_start3A_138] : memref<24576xf32, #tpu.memory_space<vmem>> -> memref<8192xf32, #tpu.memory_space<vmem>>
      %dma_start3A_140 = tpu.memref_slice %arg2[%mul3A_40] : memref<196608xf32, #tpu.memory_space<hbm>> -> memref<8192xf32, #tpu.memory_space<hbm>>
      %dma_start3A_141 = arith.constant 0 : i32
      %dma_start3A_142 = tpu.memref_slice %arg7[%dma_start3A_141] : memref<24576xf32, #tpu.memory_space<vmem>> -> memref<8192xf32, #tpu.memory_space<vmem>>
      %dma_start3A_143 = tpu.memref_slice %arg2[%mul3A_40] : memref<196608xf32, #tpu.memory_space<hbm>> -> memref<8192xf32, #tpu.memory_space<hbm>>
      tpu.enqueue_dma source(%dma_start3A_143 : memref<8192xf32, #tpu.memory_space<hbm>>) target(%dma_start3A_142 : memref<8192xf32, #tpu.memory_space<vmem>>) target_semaphore(%run_scoped3A_137 : memref<!tpu.dma_semaphore, #tpu.memory_space<semaphore_mem>>)
      %dma_wait3A_144 = arith.constant 0 : i32
      %dma_wait3A_145 = tpu.memref_slice %arg7[%dma_wait3A_144] : memref<24576xf32, #tpu.memory_space<vmem>> -> memref<8192xf32, #tpu.memory_space<vmem>>
      %dma_wait3A_146 = tpu.memref_slice %arg2[%mul3A_40] : memref<196608xf32, #tpu.memory_space<hbm>> -> memref<8192xf32, #tpu.memory_space<hbm>>
      %dma_wait3A_147 = arith.constant 0 : i32
      %dma_wait3A_148 = tpu.memref_slice %arg7[%dma_wait3A_147] : memref<24576xf32, #tpu.memory_space<vmem>> -> memref<8192xf32, #tpu.memory_space<vmem>>
      %dma_wait3A_149 = tpu.memref_slice %arg2[%mul3A_40] : memref<196608xf32, #tpu.memory_space<hbm>> -> memref<8192xf32, #tpu.memory_space<hbm>>
      tpu.wait_dma2 semaphore(%run_scoped3A_137 : memref<!tpu.dma_semaphore, #tpu.memory_space<semaphore_mem>>) src(%dma_wait3A_149 : memref<8192xf32, #tpu.memory_space<hbm>>) dst(%dma_wait3A_148 : memref<8192xf32, #tpu.memory_space<vmem>>)
      tpu.yield
    }) : () -> ()
    %mul3A_41 = arith.constant 3 : i32
    %mul3A_42 = arith.muli %select_n3A, %mul3A_41 : i32
    %add3A_43 = arith.constant 0 : i32
    %add3A_44 = arith.addi %mul3A_42, %add3A_43 : i32
    %mul3A_45 = arith.constant 1024 : i32
    %mul3A_46 = arith.muli %add3A_44, %mul3A_45 : i32
    %add3A_47 = arith.addi %mul3A_46, %mul3A_32 : i32
    "tpu.region"() ({
      %run_scoped3A_137 = tpu.sem_alloc : memref<!tpu.dma_semaphore, #tpu.memory_space<semaphore_mem>>
      %dma_start3A_138 = arith.constant 0 : i32
      %dma_start3A_139 = tpu.memref_slice %arg8[%dma_start3A_138] : memref<768xf32, #tpu.memory_space<vmem>> -> memref<256xf32, #tpu.memory_space<vmem>>
      %dma_start3A_140 = tpu.memref_slice %arg3[%add3A_47] : memref<24576xf32, #tpu.memory_space<hbm>> -> memref<256xf32, #tpu.memory_space<hbm>>
      %dma_start3A_141 = arith.constant 0 : i32
      %dma_start3A_142 = tpu.memref_slice %arg8[%dma_start3A_141] : memref<768xf32, #tpu.memory_space<vmem>> -> memref<256xf32, #tpu.memory_space<vmem>>
      %dma_start3A_143 = tpu.memref_slice %arg3[%add3A_47] : memref<24576xf32, #tpu.memory_space<hbm>> -> memref<256xf32, #tpu.memory_space<hbm>>
      tpu.enqueue_dma source(%dma_start3A_143 : memref<256xf32, #tpu.memory_space<hbm>>) target(%dma_start3A_142 : memref<256xf32, #tpu.memory_space<vmem>>) target_semaphore(%run_scoped3A_137 : memref<!tpu.dma_semaphore, #tpu.memory_space<semaphore_mem>>)
      %dma_wait3A_144 = arith.constant 0 : i32
      %dma_wait3A_145 = tpu.memref_slice %arg8[%dma_wait3A_144] : memref<768xf32, #tpu.memory_space<vmem>> -> memref<256xf32, #tpu.memory_space<vmem>>
      %dma_wait3A_146 = tpu.memref_slice %arg3[%add3A_47] : memref<24576xf32, #tpu.memory_space<hbm>> -> memref<256xf32, #tpu.memory_space<hbm>>
      %dma_wait3A_147 = arith.constant 0 : i32
      %dma_wait3A_148 = tpu.memref_slice %arg8[%dma_wait3A_147] : memref<768xf32, #tpu.memory_space<vmem>> -> memref<256xf32, #tpu.memory_space<vmem>>
      %dma_wait3A_149 = tpu.memref_slice %arg3[%add3A_47] : memref<24576xf32, #tpu.memory_space<hbm>> -> memref<256xf32, #tpu.memory_space<hbm>>
      tpu.wait_dma2 semaphore(%run_scoped3A_137 : memref<!tpu.dma_semaphore, #tpu.memory_space<semaphore_mem>>) src(%dma_wait3A_149 : memref<256xf32, #tpu.memory_space<hbm>>) dst(%dma_wait3A_148 : memref<256xf32, #tpu.memory_space<vmem>>)
      tpu.yield
    }) : () -> ()
    %mul3A_48 = arith.constant 3 : i32
    %mul3A_49 = arith.muli %select_n3A, %mul3A_48 : i32
    %add3A_50 = arith.constant 1 : i32
    %add3A_51 = arith.addi %mul3A_49, %add3A_50 : i32
    %mul3A_52 = arith.constant 8192 : i32
    %mul3A_53 = arith.muli %add3A_51, %mul3A_52 : i32
    "tpu.region"() ({
      %run_scoped3A_137 = tpu.sem_alloc : memref<!tpu.dma_semaphore, #tpu.memory_space<semaphore_mem>>
      %dma_start3A_138 = arith.constant 8192 : i32
      %dma_start3A_139 = tpu.memref_slice %arg7[%dma_start3A_138] : memref<24576xf32, #tpu.memory_space<vmem>> -> memref<8192xf32, #tpu.memory_space<vmem>>
      %dma_start3A_140 = tpu.memref_slice %arg2[%mul3A_53] : memref<196608xf32, #tpu.memory_space<hbm>> -> memref<8192xf32, #tpu.memory_space<hbm>>
      %dma_start3A_141 = arith.constant 8192 : i32
      %dma_start3A_142 = tpu.memref_slice %arg7[%dma_start3A_141] : memref<24576xf32, #tpu.memory_space<vmem>> -> memref<8192xf32, #tpu.memory_space<vmem>>
      %dma_start3A_143 = tpu.memref_slice %arg2[%mul3A_53] : memref<196608xf32, #tpu.memory_space<hbm>> -> memref<8192xf32, #tpu.memory_space<hbm>>
      tpu.enqueue_dma source(%dma_start3A_143 : memref<8192xf32, #tpu.memory_space<hbm>>) target(%dma_start3A_142 : memref<8192xf32, #tpu.memory_space<vmem>>) target_semaphore(%run_scoped3A_137 : memref<!tpu.dma_semaphore, #tpu.memory_space<semaphore_mem>>)
      %dma_wait3A_144 = arith.constant 8192 : i32
      %dma_wait3A_145 = tpu.memref_slice %arg7[%dma_wait3A_144] : memref<24576xf32, #tpu.memory_space<vmem>> -> memref<8192xf32, #tpu.memory_space<vmem>>
      %dma_wait3A_146 = tpu.memref_slice %arg2[%mul3A_53] : memref<196608xf32, #tpu.memory_space<hbm>> -> memref<8192xf32, #tpu.memory_space<hbm>>
      %dma_wait3A_147 = arith.constant 8192 : i32
      %dma_wait3A_148 = tpu.memref_slice %arg7[%dma_wait3A_147] : memref<24576xf32, #tpu.memory_space<vmem>> -> memref<8192xf32, #tpu.memory_space<vmem>>
      %dma_wait3A_149 = tpu.memref_slice %arg2[%mul3A_53] : memref<196608xf32, #tpu.memory_space<hbm>> -> memref<8192xf32, #tpu.memory_space<hbm>>
      tpu.wait_dma2 semaphore(%run_scoped3A_137 : memref<!tpu.dma_semaphore, #tpu.memory_space<semaphore_mem>>) src(%dma_wait3A_149 : memref<8192xf32, #tpu.memory_space<hbm>>) dst(%dma_wait3A_148 : memref<8192xf32, #tpu.memory_space<vmem>>)
      tpu.yield
    }) : () -> ()
    %mul3A_54 = arith.constant 3 : i32
    %mul3A_55 = arith.muli %select_n3A, %mul3A_54 : i32
    %add3A_56 = arith.constant 1 : i32
    %add3A_57 = arith.addi %mul3A_55, %add3A_56 : i32
    %mul3A_58 = arith.constant 1024 : i32
    %mul3A_59 = arith.muli %add3A_57, %mul3A_58 : i32
    %add3A_60 = arith.addi %mul3A_59, %mul3A_32 : i32
    "tpu.region"() ({
      %run_scoped3A_137 = tpu.sem_alloc : memref<!tpu.dma_semaphore, #tpu.memory_space<semaphore_mem>>
      %dma_start3A_138 = arith.constant 256 : i32
      %dma_start3A_139 = tpu.memref_slice %arg8[%dma_start3A_138] : memref<768xf32, #tpu.memory_space<vmem>> -> memref<256xf32, #tpu.memory_space<vmem>>
      %dma_start3A_140 = tpu.memref_slice %arg3[%add3A_60] : memref<24576xf32, #tpu.memory_space<hbm>> -> memref<256xf32, #tpu.memory_space<hbm>>
      %dma_start3A_141 = arith.constant 256 : i32
      %dma_start3A_142 = tpu.memref_slice %arg8[%dma_start3A_141] : memref<768xf32, #tpu.memory_space<vmem>> -> memref<256xf32, #tpu.memory_space<vmem>>
      %dma_start3A_143 = tpu.memref_slice %arg3[%add3A_60] : memref<24576xf32, #tpu.memory_space<hbm>> -> memref<256xf32, #tpu.memory_space<hbm>>
      tpu.enqueue_dma source(%dma_start3A_143 : memref<256xf32, #tpu.memory_space<hbm>>) target(%dma_start3A_142 : memref<256xf32, #tpu.memory_space<vmem>>) target_semaphore(%run_scoped3A_137 : memref<!tpu.dma_semaphore, #tpu.memory_space<semaphore_mem>>)
      %dma_wait3A_144 = arith.constant 256 : i32
      %dma_wait3A_145 = tpu.memref_slice %arg8[%dma_wait3A_144] : memref<768xf32, #tpu.memory_space<vmem>> -> memref<256xf32, #tpu.memory_space<vmem>>
      %dma_wait3A_146 = tpu.memref_slice %arg3[%add3A_60] : memref<24576xf32, #tpu.memory_space<hbm>> -> memref<256xf32, #tpu.memory_space<hbm>>
      %dma_wait3A_147 = arith.constant 256 : i32
      %dma_wait3A_148 = tpu.memref_slice %arg8[%dma_wait3A_147] : memref<768xf32, #tpu.memory_space<vmem>> -> memref<256xf32, #tpu.memory_space<vmem>>
      %dma_wait3A_149 = tpu.memref_slice %arg3[%add3A_60] : memref<24576xf32, #tpu.memory_space<hbm>> -> memref<256xf32, #tpu.memory_space<hbm>>
      tpu.wait_dma2 semaphore(%run_scoped3A_137 : memref<!tpu.dma_semaphore, #tpu.memory_space<semaphore_mem>>) src(%dma_wait3A_149 : memref<256xf32, #tpu.memory_space<hbm>>) dst(%dma_wait3A_148 : memref<256xf32, #tpu.memory_space<vmem>>)
      tpu.yield
    }) : () -> ()
    %mul3A_61 = arith.constant 3 : i32
    %mul3A_62 = arith.muli %select_n3A, %mul3A_61 : i32
    %add3A_63 = arith.constant 2 : i32
    %add3A_64 = arith.addi %mul3A_62, %add3A_63 : i32
    %mul3A_65 = arith.constant 8192 : i32
    %mul3A_66 = arith.muli %add3A_64, %mul3A_65 : i32
    "tpu.region"() ({
      %run_scoped3A_137 = tpu.sem_alloc : memref<!tpu.dma_semaphore, #tpu.memory_space<semaphore_mem>>
      %dma_start3A_138 = arith.constant 16384 : i32
      %dma_start3A_139 = tpu.memref_slice %arg7[%dma_start3A_138] : memref<24576xf32, #tpu.memory_space<vmem>> -> memref<8192xf32, #tpu.memory_space<vmem>>
      %dma_start3A_140 = tpu.memref_slice %arg2[%mul3A_66] : memref<196608xf32, #tpu.memory_space<hbm>> -> memref<8192xf32, #tpu.memory_space<hbm>>
      %dma_start3A_141 = arith.constant 16384 : i32
      %dma_start3A_142 = tpu.memref_slice %arg7[%dma_start3A_141] : memref<24576xf32, #tpu.memory_space<vmem>> -> memref<8192xf32, #tpu.memory_space<vmem>>
      %dma_start3A_143 = tpu.memref_slice %arg2[%mul3A_66] : memref<196608xf32, #tpu.memory_space<hbm>> -> memref<8192xf32, #tpu.memory_space<hbm>>
      tpu.enqueue_dma source(%dma_start3A_143 : memref<8192xf32, #tpu.memory_space<hbm>>) target(%dma_start3A_142 : memref<8192xf32, #tpu.memory_space<vmem>>) target_semaphore(%run_scoped3A_137 : memref<!tpu.dma_semaphore, #tpu.memory_space<semaphore_mem>>)
      %dma_wait3A_144 = arith.constant 16384 : i32
      %dma_wait3A_145 = tpu.memref_slice %arg7[%dma_wait3A_144] : memref<24576xf32, #tpu.memory_space<vmem>> -> memref<8192xf32, #tpu.memory_space<vmem>>
      %dma_wait3A_146 = tpu.memref_slice %arg2[%mul3A_66] : memref<196608xf32, #tpu.memory_space<hbm>> -> memref<8192xf32, #tpu.memory_space<hbm>>
      %dma_wait3A_147 = arith.constant 16384 : i32
      %dma_wait3A_148 = tpu.memref_slice %arg7[%dma_wait3A_147] : memref<24576xf32, #tpu.memory_space<vmem>> -> memref<8192xf32, #tpu.memory_space<vmem>>
      %dma_wait3A_149 = tpu.memref_slice %arg2[%mul3A_66] : memref<196608xf32, #tpu.memory_space<hbm>> -> memref<8192xf32, #tpu.memory_space<hbm>>
      tpu.wait_dma2 semaphore(%run_scoped3A_137 : memref<!tpu.dma_semaphore, #tpu.memory_space<semaphore_mem>>) src(%dma_wait3A_149 : memref<8192xf32, #tpu.memory_space<hbm>>) dst(%dma_wait3A_148 : memref<8192xf32, #tpu.memory_space<vmem>>)
      tpu.yield
    }) : () -> ()
    %mul3A_67 = arith.constant 3 : i32
    %mul3A_68 = arith.muli %select_n3A, %mul3A_67 : i32
    %add3A_69 = arith.constant 2 : i32
    %add3A_70 = arith.addi %mul3A_68, %add3A_69 : i32
    %mul3A_71 = arith.constant 1024 : i32
    %mul3A_72 = arith.muli %add3A_70, %mul3A_71 : i32
    %add3A_73 = arith.addi %mul3A_72, %mul3A_32 : i32
    "tpu.region"() ({
      %run_scoped3A_137 = tpu.sem_alloc : memref<!tpu.dma_semaphore, #tpu.memory_space<semaphore_mem>>
      %dma_start3A_138 = arith.constant 512 : i32
      %dma_start3A_139 = tpu.memref_slice %arg8[%dma_start3A_138] : memref<768xf32, #tpu.memory_space<vmem>> -> memref<256xf32, #tpu.memory_space<vmem>>
      %dma_start3A_140 = tpu.memref_slice %arg3[%add3A_73] : memref<24576xf32, #tpu.memory_space<hbm>> -> memref<256xf32, #tpu.memory_space<hbm>>
      %dma_start3A_141 = arith.constant 512 : i32
      %dma_start3A_142 = tpu.memref_slice %arg8[%dma_start3A_141] : memref<768xf32, #tpu.memory_space<vmem>> -> memref<256xf32, #tpu.memory_space<vmem>>
      %dma_start3A_143 = tpu.memref_slice %arg3[%add3A_73] : memref<24576xf32, #tpu.memory_space<hbm>> -> memref<256xf32, #tpu.memory_space<hbm>>
      tpu.enqueue_dma source(%dma_start3A_143 : memref<256xf32, #tpu.memory_space<hbm>>) target(%dma_start3A_142 : memref<256xf32, #tpu.memory_space<vmem>>) target_semaphore(%run_scoped3A_137 : memref<!tpu.dma_semaphore, #tpu.memory_space<semaphore_mem>>)
      %dma_wait3A_144 = arith.constant 512 : i32
      %dma_wait3A_145 = tpu.memref_slice %arg8[%dma_wait3A_144] : memref<768xf32, #tpu.memory_space<vmem>> -> memref<256xf32, #tpu.memory_space<vmem>>
      %dma_wait3A_146 = tpu.memref_slice %arg3[%add3A_73] : memref<24576xf32, #tpu.memory_space<hbm>> -> memref<256xf32, #tpu.memory_space<hbm>>
      %dma_wait3A_147 = arith.constant 512 : i32
      %dma_wait3A_148 = tpu.memref_slice %arg8[%dma_wait3A_147] : memref<768xf32, #tpu.memory_space<vmem>> -> memref<256xf32, #tpu.memory_space<vmem>>
      %dma_wait3A_149 = tpu.memref_slice %arg3[%add3A_73] : memref<24576xf32, #tpu.memory_space<hbm>> -> memref<256xf32, #tpu.memory_space<hbm>>
      tpu.wait_dma2 semaphore(%run_scoped3A_137 : memref<!tpu.dma_semaphore, #tpu.memory_space<semaphore_mem>>) src(%dma_wait3A_149 : memref<256xf32, #tpu.memory_space<hbm>>) dst(%dma_wait3A_148 : memref<256xf32, #tpu.memory_space<vmem>>)
      tpu.yield
    }) : () -> ()
    %mul3A_74 = arith.constant 1024 : i32
    %mul3A_75 = arith.muli %select_n3A, %mul3A_74 : i32
    %add3A_76 = arith.addi %mul3A_75, %mul3A_32 : i32
    "tpu.region"() ({
      %run_scoped3A_137 = tpu.sem_alloc : memref<!tpu.dma_semaphore, #tpu.memory_space<semaphore_mem>>
      %dma_start3A_138 = tpu.memref_slice %arg4[%add3A_76] : memref<8192xi32, #tpu.memory_space<hbm>> -> memref<256xi32, #tpu.memory_space<hbm>>
      %dma_start3A_139 = tpu.memref_slice %arg4[%add3A_76] : memref<8192xi32, #tpu.memory_space<hbm>> -> memref<256xi32, #tpu.memory_space<hbm>>
      tpu.enqueue_dma source(%dma_start3A_139 : memref<256xi32, #tpu.memory_space<hbm>>) target(%arg9 : memref<256xi32, #tpu.memory_space<vmem>>) target_semaphore(%run_scoped3A_137 : memref<!tpu.dma_semaphore, #tpu.memory_space<semaphore_mem>>)
      %dma_wait3A_140 = tpu.memref_slice %arg4[%add3A_76] : memref<8192xi32, #tpu.memory_space<hbm>> -> memref<256xi32, #tpu.memory_space<hbm>>
      %dma_wait3A_141 = tpu.memref_slice %arg4[%add3A_76] : memref<8192xi32, #tpu.memory_space<hbm>> -> memref<256xi32, #tpu.memory_space<hbm>>
      tpu.wait_dma2 semaphore(%run_scoped3A_137 : memref<!tpu.dma_semaphore, #tpu.memory_space<semaphore_mem>>) src(%dma_wait3A_141 : memref<256xi32, #tpu.memory_space<hbm>>) dst(%arg9 : memref<256xi32, #tpu.memory_space<vmem>>)
      tpu.yield
    }) : () -> ()
    %iota3A = tpu.iota {dimensions = array<i32: 0>} : vector<16xi32>
    %broadcast_in_dim3A = arith.constant 0 : i32
    %broadcast_in_dim3A_77 = vector.broadcast %broadcast_in_dim3A : i32 to vector<16xi32>
    %broadcast_in_dim3A_78 = arith.constant 1 : i32
    %broadcast_in_dim3A_79 = vector.broadcast %broadcast_in_dim3A_78 : i32 to vector<16xi32>
    %scan3A = arith.constant 0 : i32
    %scan3A_80 = arith.constant 4.000000e-02 : f32
    %scan3A_81 = arith.constant 0 : i32
    %scan3A_82 = arith.constant 256 : i32
    %scan3A_83 = arith.addi %scan3A_81, %scan3A_82 : i32
    %scan3A_84 = arith.constant 1 : i32
    scf.for %scan3A_137 = %scan3A_81 to %scan3A_83 step %scan3A_84  : i32 {
      %broadcast_in_dim3A_138 = vector.broadcast %scan3A_137 : i32 to vector<16xi32>
      %gather3A = tpu.vector_load_idx %arg8[%broadcast_in_dim3A_138] : memref<768xf32, #tpu.memory_space<vmem>>[vector<16xi32>], vector<16xf32>,
      %add3A_139 = arith.constant 256 : i32
      %add3A_140 = vector.broadcast %add3A_139 : i32 to vector<16xi32>
      %add3A_141 = arith.addi %broadcast_in_dim3A_138, %add3A_140 : vector<16xi32>
      %gather3A_142 = tpu.vector_load_idx %arg8[%add3A_141] : memref<768xf32, #tpu.memory_space<vmem>>[vector<16xi32>], vector<16xf32>,
      %add3A_143 = arith.constant 512 : i32
      %add3A_144 = vector.broadcast %add3A_143 : i32 to vector<16xi32>
      %add3A_145 = arith.addi %broadcast_in_dim3A_138, %add3A_144 : vector<16xi32>
      %gather3A_146 = tpu.vector_load_idx %arg8[%add3A_145] : memref<768xf32, #tpu.memory_space<vmem>>[vector<16xi32>], vector<16xf32>,
      %broadcast_in_dim3A_147 = arith.constant 0 : i32
      %broadcast_in_dim3A_148 = vector.broadcast %broadcast_in_dim3A_147 : i32 to vector<16xi32>
      %while3A = arith.constant 0 : i32
      %while3A_149:2 = scf.while (%while3A_188 = %while3A, %while3A_189 = %broadcast_in_dim3A_148) : (i32, vector<16xi32>) -> (i32, vector<16xi32>) {
        %reduce_max3A = arith.constant true
        %reduce_max3A_190 = vector.broadcast %reduce_max3A : i1 to vector<16xi1>
        %reduce_max3A_191 = arith.constant -2147483648 : i32
        %reduce_max3A_192 = vector.broadcast %reduce_max3A_191 : i32 to vector<16xi32>
        %reduce_max3A_193 = arith.xori %while3A_189, %reduce_max3A_192 : vector<16xi32>
        %reduce_max3A_194 = tpu.scan <max>, %reduce_max3A_193 masked %reduce_max3A_190 : vector<16xi32>, vector<16xi1> -> vector<16xi32>
        %reduce_max3A_195 = arith.xori %reduce_max3A_194, %reduce_max3A_192 : vector<16xi32>
        %reduce_max3A_196 = vector.extract %reduce_max3A_195[15] : i32 from vector<16xi32>
        %lt3A_197 = arith.constant 32 : i32
        %lt3A_198 = arith.cmpi slt, %reduce_max3A_196, %lt3A_197 : i32
        %lt3A_199 = arith.constant 8192 : i32
        %lt3A_200 = arith.cmpi slt, %while3A_188, %lt3A_199 : i32
        %and3A_201 = arith.andi %lt3A_198, %lt3A_200 : i1
        scf.condition(%and3A_201) %while3A_188, %while3A_189 : i32, vector<16xi32>
      } do {
      ^bb0(%while3A_188: i32, %while3A_189: vector<16xi32>):
        %parallel_loop3A_190 = arith.constant 0 : i32
        %parallel_loop3A_191 = arith.constant 256 : i32
        %parallel_loop3A_192 = arith.constant 16 : i32
        %parallel_loop3A_193 = scf.for %parallel_loop3A_196 = %parallel_loop3A_190 to %parallel_loop3A_191 step %parallel_loop3A_192 iter_args(%parallel_loop3A_197 = %while3A_189) -> (vector<16xi32>)  : i32 {
          %parallel_loop3A_198 = arith.addi %while3A_188, %parallel_loop3A_196 : i32
          %parallel_loop3A_199 = arith.index_cast %parallel_loop3A_198 : i32 to index
          %parallel_loop3A_200 = tpu.vector_load %arg7[%parallel_loop3A_199] {strides = array<i32>} : memref<24576xf32, #tpu.memory_space<vmem>>, vector<16xf32>,
          %parallel_loop3A_201 = arith.constant 8192 : i32
          %parallel_loop3A_202 = arith.addi %parallel_loop3A_201, %parallel_loop3A_198 : i32
          %parallel_loop3A_203 = arith.index_cast %parallel_loop3A_202 : i32 to index
          %parallel_loop3A_204 = tpu.vector_load %arg7[%parallel_loop3A_203] {strides = array<i32>} : memref<24576xf32, #tpu.memory_space<vmem>>, vector<16xf32>,
          %parallel_loop3A_205 = arith.constant 16384 : i32
          %parallel_loop3A_206 = arith.addi %parallel_loop3A_205, %parallel_loop3A_198 : i32
          %parallel_loop3A_207 = arith.index_cast %parallel_loop3A_206 : i32 to index
          %parallel_loop3A_208 = tpu.vector_load %arg7[%parallel_loop3A_207] {strides = array<i32>} : memref<24576xf32, #tpu.memory_space<vmem>>, vector<16xf32>,
          %parallel_loop3A_209 = arith.subf %parallel_loop3A_200, %gather3A : vector<16xf32>
          %parallel_loop3A_210 = arith.subf %parallel_loop3A_204, %gather3A_142 : vector<16xf32>
          %parallel_loop3A_211 = arith.subf %parallel_loop3A_208, %gather3A_146 : vector<16xf32>
          %parallel_loop3A_212 = arith.mulf %parallel_loop3A_209, %parallel_loop3A_209 : vector<16xf32>
          %parallel_loop3A_213 = arith.mulf %parallel_loop3A_210, %parallel_loop3A_210 : vector<16xf32>
          %parallel_loop3A_214 = arith.addf %parallel_loop3A_212, %parallel_loop3A_213 : vector<16xf32>
          %parallel_loop3A_215 = arith.mulf %parallel_loop3A_211, %parallel_loop3A_211 : vector<16xf32>
          %parallel_loop3A_216 = arith.addf %parallel_loop3A_214, %parallel_loop3A_215 : vector<16xf32>
          %parallel_loop3A_217 = vector.broadcast %scan3A_80 : f32 to vector<16xf32>
          %parallel_loop3A_218 = arith.cmpf olt, %parallel_loop3A_216, %parallel_loop3A_217 : vector<16xf32>
          %parallel_loop3A_219 = tpu.scan <sum>, %broadcast_in_dim3A_79 masked %parallel_loop3A_218 : vector<16xi32>, vector<16xi1> -> vector<16xi32>
          %parallel_loop3A_220 = arith.addi %parallel_loop3A_197, %parallel_loop3A_219 : vector<16xi32>
          %parallel_loop3A_221 = arith.constant 1 : i32
          %parallel_loop3A_222 = vector.broadcast %parallel_loop3A_221 : i32 to vector<16xi32>
          %parallel_loop3A_223 = arith.subi %parallel_loop3A_220, %parallel_loop3A_222 : vector<16xi32>
          %parallel_loop3A_224 = vector.broadcast %parallel_loop3A_198 : i32 to vector<16xi32>
          %parallel_loop3A_225 = arith.addi %iota3A, %parallel_loop3A_224 : vector<16xi32>
          tpu.vector_store_idx %arg11[%parallel_loop3A_223], %parallel_loop3A_225 masked %parallel_loop3A_218 : memref<288xi32, #tpu.memory_space<vmem>>[vector<16xi32>], vector<16xi32>, vector<16xi1>
          %parallel_loop3A_226 = tpu.all_reduce %parallel_loop3A_218 {dim = 0 : i64, kind = #tpu.reduction_kind<sum>} : vector<16xi1> -> vector<16xi32>
          %parallel_loop3A_227 = arith.addi %parallel_loop3A_197, %parallel_loop3A_226 : vector<16xi32>
          scf.yield %parallel_loop3A_227 : vector<16xi32>
        } {sc.loop_unroll_factor = 16 : i64, sc.parallel_access}
        %add3A_194 = arith.constant 256 : i32
        %add3A_195 = arith.addi %while3A_188, %add3A_194 : i32
        scf.yield %add3A_195, %parallel_loop3A_193 : i32, vector<16xi32>
      }
      %gather3A_150 = tpu.vector_load_idx %arg11[%broadcast_in_dim3A_77] : memref<288xi32, #tpu.memory_space<vmem>>[vector<16xi32>], vector<16xi32>,
      %gt3A = arith.constant 0 : i32
      %gt3A_151 = vector.broadcast %gt3A : i32 to vector<16xi32>
      %gt3A_152 = arith.cmpi sgt, %while3A_149#1, %gt3A_151 : vector<16xi32>
      %select_n3A_153 = arith.select %gt3A_152, %gather3A_150, %broadcast_in_dim3A_77 : vector<16xi1>, vector<16xi32>
      %gather3A_154 = tpu.vector_load_idx %arg9[%broadcast_in_dim3A_138] : memref<256xi32, #tpu.memory_space<vmem>>[vector<16xi32>], vector<16xi32>,
      %mul3A_155 = arith.constant 33 : i32
      %mul3A_156 = arith.muli %scan3A_137, %mul3A_155 : i32
      %broadcast_in_dim3A_157 = vector.broadcast %mul3A_156 : i32 to vector<16xi32>
      %eq3A_158 = arith.constant 0 : i32
      %eq3A_159 = vector.broadcast %eq3A_158 : i32 to vector<16xi32>
      %eq3A_160 = arith.cmpi eq, %iota3A, %eq3A_159 : vector<16xi32>
      tpu.vector_store_idx %arg10[%broadcast_in_dim3A_157], %gather3A_154 masked %eq3A_160 : memref<8448xi32, #tpu.memory_space<vmem>>[vector<16xi32>], vector<16xi32>, vector<16xi1>
      %get3A = arith.constant 0 : index
      %get3A_161 = tpu.vector_load %arg11[%get3A] {strides = array<i32>} : memref<288xi32, #tpu.memory_space<vmem>>, vector<16xi32>,
      %add3A_162 = arith.constant 0 : i32
      %add3A_163 = vector.broadcast %add3A_162 : i32 to vector<16xi32>
      %add3A_164 = arith.addi %iota3A, %add3A_163 : vector<16xi32>
      %lt3A_165 = arith.cmpi slt, %add3A_164, %while3A_149#1 : vector<16xi32>
      %select_n3A_166 = arith.select %lt3A_165, %get3A_161, %select_n3A_153 : vector<16xi1>, vector<16xi32>
      %add3A_167 = arith.constant 1 : i32
      %add3A_168 = vector.broadcast %add3A_167 : i32 to vector<16xi32>
      %add3A_169 = arith.addi %broadcast_in_dim3A_157, %add3A_168 : vector<16xi32>
      %add3A_170 = arith.constant 0 : i32
      %add3A_171 = vector.broadcast %add3A_170 : i32 to vector<16xi32>
      %add3A_172 = arith.addi %add3A_169, %add3A_171 : vector<16xi32>
      %add3A_173 = arith.addi %add3A_172, %iota3A : vector<16xi32>
      tpu.vector_store_idx %arg10[%add3A_173], %select_n3A_166 : memref<8448xi32, #tpu.memory_space<vmem>>[vector<16xi32>], vector<16xi32>,
      %get3A_174 = arith.constant 16 : index
      %get3A_175 = tpu.vector_load %arg11[%get3A_174] {strides = array<i32>} : memref<288xi32, #tpu.memory_space<vmem>>, vector<16xi32>,
      %add3A_176 = arith.constant 16 : i32
      %add3A_177 = vector.broadcast %add3A_176 : i32 to vector<16xi32>
      %add3A_178 = arith.addi %iota3A, %add3A_177 : vector<16xi32>
      %lt3A_179 = arith.cmpi slt, %add3A_178, %while3A_149#1 : vector<16xi32>
      %select_n3A_180 = arith.select %lt3A_179, %get3A_175, %select_n3A_153 : vector<16xi1>, vector<16xi32>
      %add3A_181 = arith.constant 1 : i32
      %add3A_182 = vector.broadcast %add3A_181 : i32 to vector<16xi32>
      %add3A_183 = arith.addi %broadcast_in_dim3A_157, %add3A_182 : vector<16xi32>
      %add3A_184 = arith.constant 16 : i32
      %add3A_185 = vector.broadcast %add3A_184 : i32 to vector<16xi32>
      %add3A_186 = arith.addi %add3A_183, %add3A_185 : vector<16xi32>
      %add3A_187 = arith.addi %add3A_186, %iota3A : vector<16xi32>
      tpu.vector_store_idx %arg10[%add3A_187], %select_n3A_180 : memref<8448xi32, #tpu.memory_space<vmem>>[vector<16xi32>], vector<16xi32>,
    }
    %scan3A_85 = arith.constant 256 : i32
    %mul3A_86 = arith.constant 64 : i32
    %mul3A_87 = arith.muli %select_n3A, %mul3A_86 : i32
    %add3A_88 = arith.constant 6 : i32
    %add3A_89 = arith.addi %mul3A_87, %add3A_88 : i32
    %sub3A_90 = arith.constant 6 : i32
    %sub3A_91 = arith.subi %add3A_89, %sub3A_90 : i32
    %mul3A_92 = arith.constant 8192 : i32
    %mul3A_93 = arith.muli %sub3A_91, %mul3A_92 : i32
    %dma_start3A = tpu.memref_slice %arg5[%mul3A_93] : memref<4194304xf32, #tpu.memory_space<hbm>> -> memref<8192xf32, #tpu.memory_space<hbm>>
    %dma_start3A_94 = tpu.memref_slice %arg5[%mul3A_93] : memref<4194304xf32, #tpu.memory_space<hbm>> -> memref<8192xf32, #tpu.memory_space<hbm>>
    tpu.enqueue_dma source(%dma_start3A_94 : memref<8192xf32, #tpu.memory_space<hbm>>) target(%arg12 : memref<8192xf32, #tpu.memory_space<vmem>>) target_semaphore(%arg16 : memref<!tpu.dma_semaphore, #tpu.memory_space<semaphore_mem>>)
    %mul3A_95 = arith.constant 64 : i32
    %mul3A_96 = arith.muli %select_n3A, %mul3A_95 : i32
    %add3A_97 = arith.constant 7 : i32
    %add3A_98 = arith.addi %mul3A_96, %add3A_97 : i32
    %sub3A_99 = arith.constant 6 : i32
    %sub3A_100 = arith.subi %add3A_98, %sub3A_99 : i32
    %mul3A_101 = arith.constant 8192 : i32
    %mul3A_102 = arith.muli %sub3A_100, %mul3A_101 : i32
    %dma_start3A_103 = tpu.memref_slice %arg5[%mul3A_102] : memref<4194304xf32, #tpu.memory_space<hbm>> -> memref<8192xf32, #tpu.memory_space<hbm>>
    %dma_start3A_104 = tpu.memref_slice %arg5[%mul3A_102] : memref<4194304xf32, #tpu.memory_space<hbm>> -> memref<8192xf32, #tpu.memory_space<hbm>>
    tpu.enqueue_dma source(%dma_start3A_104 : memref<8192xf32, #tpu.memory_space<hbm>>) target(%arg13 : memref<8192xf32, #tpu.memory_space<vmem>>) target_semaphore(%arg17 : memref<!tpu.dma_semaphore, #tpu.memory_space<semaphore_mem>>)
    %parallel_loop3A = arith.constant 0 : i32
    %parallel_loop3A_105 = arith.constant 8448 : i32
    %parallel_loop3A_106 = arith.constant 16 : i32
    scf.for %parallel_loop3A_137 = %parallel_loop3A to %parallel_loop3A_105 step %parallel_loop3A_106  : i32 {
      %parallel_loop3A_138 = arith.index_cast %parallel_loop3A_137 : i32 to index
      %parallel_loop3A_139 = tpu.vector_load %arg10[%parallel_loop3A_138] {strides = array<i32>} : memref<8448xi32, #tpu.memory_space<vmem>>, vector<16xi32>,
      %parallel_loop3A_140 = tpu.vector_load_idx %arg7[%parallel_loop3A_139] : memref<24576xf32, #tpu.memory_space<vmem>>[vector<16xi32>], vector<16xf32>,
      %parallel_loop3A_141 = vector.broadcast %parallel_loop3A_137 : i32 to vector<16xi32>
      %parallel_loop3A_142 = arith.addi %parallel_loop3A_141, %iota3A : vector<16xi32>
      %parallel_loop3A_143 = arith.constant 33 : i32
      %parallel_loop3A_144 = vector.broadcast %parallel_loop3A_143 : i32 to vector<16xi32>
      %parallel_loop3A_145 = arith.divsi %parallel_loop3A_142, %parallel_loop3A_144 : vector<16xi32>
      %parallel_loop3A_146 = arith.constant 0 : i32
      %parallel_loop3A_147 = vector.broadcast %parallel_loop3A_146 : i32 to vector<16xi32>
      %parallel_loop3A_148 = arith.addi %parallel_loop3A_145, %parallel_loop3A_147 : vector<16xi32>
      %parallel_loop3A_149 = tpu.vector_load_idx %arg8[%parallel_loop3A_148] : memref<768xf32, #tpu.memory_space<vmem>>[vector<16xi32>], vector<16xf32>,
      %parallel_loop3A_150 = arith.subf %parallel_loop3A_140, %parallel_loop3A_149 : vector<16xf32>
      %parallel_loop3A_151 = arith.constant 33 : i32
      %parallel_loop3A_152 = vector.broadcast %parallel_loop3A_151 : i32 to vector<16xi32>
      %parallel_loop3A_153 = arith.muli %parallel_loop3A_145, %parallel_loop3A_152 : vector<16xi32>
      %parallel_loop3A_154 = arith.subi %parallel_loop3A_142, %parallel_loop3A_153 : vector<16xi32>
      tpu.vector_store_idx %arg14[%parallel_loop3A_145, %parallel_loop3A_154], %parallel_loop3A_150 : memref<256x33xf32, #tpu.memory_space<vmem>>[vector<16xi32>, vector<16xi32>], vector<16xf32>,
    } {sc.loop_unroll_factor = 8 : i64, sc.parallel_access}
    %run_scoped3A = arith.constant 0 : i32
    "tpu.region"() ({
      %run_scoped3A_137 = tpu.sem_alloc : memref<!tpu.dma_semaphore, #tpu.memory_space<semaphore_mem>>
      %dma_start3A_138 = arith.constant 0 : i32
      %dma_start3A_139 = tpu.memref_slice %arg6[%select_n3A, %run_scoped3A, %mul3A_32, %dma_start3A_138] : memref<8x70x1024x33xf32, #tpu.memory_space<hbm>> -> memref<1x1x256x33xf32, #tpu.memory_space<hbm>>
      %dma_start3A_140 = tpu.memref_squeeze %dma_start3A_139 : memref<1x1x256x33xf32, #tpu.memory_space<hbm>> -> memref<256x33xf32, #tpu.memory_space<hbm>>
      %dma_start3A_141 = arith.constant 0 : i32
      %dma_start3A_142 = tpu.memref_slice %arg6[%select_n3A, %run_scoped3A, %mul3A_32, %dma_start3A_141] : memref<8x70x1024x33xf32, #tpu.memory_space<hbm>> -> memref<1x1x256x33xf32, #tpu.memory_space<hbm>>
      %dma_start3A_143 = tpu.memref_squeeze %dma_start3A_142 : memref<1x1x256x33xf32, #tpu.memory_space<hbm>> -> memref<256x33xf32, #tpu.memory_space<hbm>>
      tpu.enqueue_dma source(%arg14 : memref<256x33xf32, #tpu.memory_space<vmem>>) target(%dma_start3A_143 : memref<256x33xf32, #tpu.memory_space<hbm>>) target_semaphore(%run_scoped3A_137 : memref<!tpu.dma_semaphore, #tpu.memory_space<semaphore_mem>>)
      %dma_wait3A_144 = arith.constant 0 : i32
      %dma_wait3A_145 = tpu.memref_slice %arg6[%select_n3A, %run_scoped3A, %mul3A_32, %dma_wait3A_144] : memref<8x70x1024x33xf32, #tpu.memory_space<hbm>> -> memref<1x1x256x33xf32, #tpu.memory_space<hbm>>
      %dma_wait3A_146 = tpu.memref_squeeze %dma_wait3A_145 : memref<1x1x256x33xf32, #tpu.memory_space<hbm>> -> memref<256x33xf32, #tpu.memory_space<hbm>>
      %dma_wait3A_147 = arith.constant 0 : i32
      %dma_wait3A_148 = tpu.memref_slice %arg6[%select_n3A, %run_scoped3A, %mul3A_32, %dma_wait3A_147] : memref<8x70x1024x33xf32, #tpu.memory_space<hbm>> -> memref<1x1x256x33xf32, #tpu.memory_space<hbm>>
      %dma_wait3A_149 = tpu.memref_squeeze %dma_wait3A_148 : memref<1x1x256x33xf32, #tpu.memory_space<hbm>> -> memref<256x33xf32, #tpu.memory_space<hbm>>
      tpu.wait_dma2 semaphore(%run_scoped3A_137 : memref<!tpu.dma_semaphore, #tpu.memory_space<semaphore_mem>>) src(%arg14 : memref<256x33xf32, #tpu.memory_space<vmem>>) dst(%dma_wait3A_149 : memref<256x33xf32, #tpu.memory_space<hbm>>)
      tpu.yield
    }) : () -> ()
    %run_scoped3A_107 = arith.constant 3 : i32
    "tpu.region"() ({
      %run_scoped3A_137 = tpu.sem_alloc : memref<!tpu.dma_semaphore, #tpu.memory_space<semaphore_mem>>
      %dma_start3A_138 = arith.constant 0 : i32
      %dma_start3A_139 = tpu.memref_slice %arg6[%select_n3A, %run_scoped3A_107, %mul3A_32, %dma_start3A_138] : memref<8x70x1024x33xf32, #tpu.memory_space<hbm>> -> memref<1x1x256x33xf32, #tpu.memory_space<hbm>>
      %dma_start3A_140 = tpu.memref_squeeze %dma_start3A_139 : memref<1x1x256x33xf32, #tpu.memory_space<hbm>> -> memref<256x33xf32, #tpu.memory_space<hbm>>
      %dma_start3A_141 = arith.constant 0 : i32
      %dma_start3A_142 = tpu.memref_slice %arg6[%select_n3A, %run_scoped3A_107, %mul3A_32, %dma_start3A_141] : memref<8x70x1024x33xf32, #tpu.memory_space<hbm>> -> memref<1x1x256x33xf32, #tpu.memory_space<hbm>>
      %dma_start3A_143 = tpu.memref_squeeze %dma_start3A_142 : memref<1x1x256x33xf32, #tpu.memory_space<hbm>> -> memref<256x33xf32, #tpu.memory_space<hbm>>
      tpu.enqueue_dma source(%arg14 : memref<256x33xf32, #tpu.memory_space<vmem>>) target(%dma_start3A_143 : memref<256x33xf32, #tpu.memory_space<hbm>>) target_semaphore(%run_scoped3A_137 : memref<!tpu.dma_semaphore, #tpu.memory_space<semaphore_mem>>)
      %dma_wait3A_144 = arith.constant 0 : i32
      %dma_wait3A_145 = tpu.memref_slice %arg6[%select_n3A, %run_scoped3A_107, %mul3A_32, %dma_wait3A_144] : memref<8x70x1024x33xf32, #tpu.memory_space<hbm>> -> memref<1x1x256x33xf32, #tpu.memory_space<hbm>>
      %dma_wait3A_146 = tpu.memref_squeeze %dma_wait3A_145 : memref<1x1x256x33xf32, #tpu.memory_space<hbm>> -> memref<256x33xf32, #tpu.memory_space<hbm>>
      %dma_wait3A_147 = arith.constant 0 : i32
      %dma_wait3A_148 = tpu.memref_slice %arg6[%select_n3A, %run_scoped3A_107, %mul3A_32, %dma_wait3A_147] : memref<8x70x1024x33xf32, #tpu.memory_space<hbm>> -> memref<1x1x256x33xf32, #tpu.memory_space<hbm>>
      %dma_wait3A_149 = tpu.memref_squeeze %dma_wait3A_148 : memref<1x1x256x33xf32, #tpu.memory_space<hbm>> -> memref<256x33xf32, #tpu.memory_space<hbm>>
      tpu.wait_dma2 semaphore(%run_scoped3A_137 : memref<!tpu.dma_semaphore, #tpu.memory_space<semaphore_mem>>) src(%arg14 : memref<256x33xf32, #tpu.memory_space<vmem>>) dst(%dma_wait3A_149 : memref<256x33xf32, #tpu.memory_space<hbm>>)
      tpu.yield
    }) : () -> ()
    %parallel_loop3A_108 = arith.constant 0 : i32
    %parallel_loop3A_109 = arith.constant 8448 : i32
    %parallel_loop3A_110 = arith.constant 16 : i32
    scf.for %parallel_loop3A_137 = %parallel_loop3A_108 to %parallel_loop3A_109 step %parallel_loop3A_110  : i32 {
      %parallel_loop3A_138 = arith.index_cast %parallel_loop3A_137 : i32 to index
      %parallel_loop3A_139 = tpu.vector_load %arg10[%parallel_loop3A_138] {strides = array<i32>} : memref<8448xi32, #tpu.memory_space<vmem>>, vector<16xi32>,
      %parallel_loop3A_140 = arith.constant 8192 : i32
      %parallel_loop3A_141 = vector.broadcast %parallel_loop3A_140 : i32 to vector<16xi32>
      %parallel_loop3A_142 = arith.addi %parallel_loop3A_139, %parallel_loop3A_141 : vector<16xi32>
      %parallel_loop3A_143 = tpu.vector_load_idx %arg7[%parallel_loop3A_142] : memref<24576xf32, #tpu.memory_space<vmem>>[vector<16xi32>], vector<16xf32>,
      %parallel_loop3A_144 = vector.broadcast %parallel_loop3A_137 : i32 to vector<16xi32>
      %parallel_loop3A_145 = arith.addi %parallel_loop3A_144, %iota3A : vector<16xi32>
      %parallel_loop3A_146 = arith.constant 33 : i32
      %parallel_loop3A_147 = vector.broadcast %parallel_loop3A_146 : i32 to vector<16xi32>
      %parallel_loop3A_148 = arith.divsi %parallel_loop3A_145, %parallel_loop3A_147 : vector<16xi32>
      %parallel_loop3A_149 = arith.constant 256 : i32
      %parallel_loop3A_150 = vector.broadcast %parallel_loop3A_149 : i32 to vector<16xi32>
      %parallel_loop3A_151 = arith.addi %parallel_loop3A_148, %parallel_loop3A_150 : vector<16xi32>
      %parallel_loop3A_152 = tpu.vector_load_idx %arg8[%parallel_loop3A_151] : memref<768xf32, #tpu.memory_space<vmem>>[vector<16xi32>], vector<16xf32>,
      %parallel_loop3A_153 = arith.subf %parallel_loop3A_143, %parallel_loop3A_152 : vector<16xf32>
      %parallel_loop3A_154 = arith.constant 33 : i32
      %parallel_loop3A_155 = vector.broadcast %parallel_loop3A_154 : i32 to vector<16xi32>
      %parallel_loop3A_156 = arith.muli %parallel_loop3A_148, %parallel_loop3A_155 : vector<16xi32>
      %parallel_loop3A_157 = arith.subi %parallel_loop3A_145, %parallel_loop3A_156 : vector<16xi32>
      tpu.vector_store_idx %arg14[%parallel_loop3A_148, %parallel_loop3A_157], %parallel_loop3A_153 : memref<256x33xf32, #tpu.memory_space<vmem>>[vector<16xi32>, vector<16xi32>], vector<16xf32>,
    } {sc.loop_unroll_factor = 8 : i64, sc.parallel_access}
    %run_scoped3A_111 = arith.constant 1 : i32
    "tpu.region"() ({
      %run_scoped3A_137 = tpu.sem_alloc : memref<!tpu.dma_semaphore, #tpu.memory_space<semaphore_mem>>
      %dma_start3A_138 = arith.constant 0 : i32
      %dma_start3A_139 = tpu.memref_slice %arg6[%select_n3A, %run_scoped3A_111, %mul3A_32, %dma_start3A_138] : memref<8x70x1024x33xf32, #tpu.memory_space<hbm>> -> memref<1x1x256x33xf32, #tpu.memory_space<hbm>>
      %dma_start3A_140 = tpu.memref_squeeze %dma_start3A_139 : memref<1x1x256x33xf32, #tpu.memory_space<hbm>> -> memref<256x33xf32, #tpu.memory_space<hbm>>
      %dma_start3A_141 = arith.constant 0 : i32
      %dma_start3A_142 = tpu.memref_slice %arg6[%select_n3A, %run_scoped3A_111, %mul3A_32, %dma_start3A_141] : memref<8x70x1024x33xf32, #tpu.memory_space<hbm>> -> memref<1x1x256x33xf32, #tpu.memory_space<hbm>>
      %dma_start3A_143 = tpu.memref_squeeze %dma_start3A_142 : memref<1x1x256x33xf32, #tpu.memory_space<hbm>> -> memref<256x33xf32, #tpu.memory_space<hbm>>
      tpu.enqueue_dma source(%arg14 : memref<256x33xf32, #tpu.memory_space<vmem>>) target(%dma_start3A_143 : memref<256x33xf32, #tpu.memory_space<hbm>>) target_semaphore(%run_scoped3A_137 : memref<!tpu.dma_semaphore, #tpu.memory_space<semaphore_mem>>)
      %dma_wait3A_144 = arith.constant 0 : i32
      %dma_wait3A_145 = tpu.memref_slice %arg6[%select_n3A, %run_scoped3A_111, %mul3A_32, %dma_wait3A_144] : memref<8x70x1024x33xf32, #tpu.memory_space<hbm>> -> memref<1x1x256x33xf32, #tpu.memory_space<hbm>>
      %dma_wait3A_146 = tpu.memref_squeeze %dma_wait3A_145 : memref<1x1x256x33xf32, #tpu.memory_space<hbm>> -> memref<256x33xf32, #tpu.memory_space<hbm>>
      %dma_wait3A_147 = arith.constant 0 : i32
      %dma_wait3A_148 = tpu.memref_slice %arg6[%select_n3A, %run_scoped3A_111, %mul3A_32, %dma_wait3A_147] : memref<8x70x1024x33xf32, #tpu.memory_space<hbm>> -> memref<1x1x256x33xf32, #tpu.memory_space<hbm>>
      %dma_wait3A_149 = tpu.memref_squeeze %dma_wait3A_148 : memref<1x1x256x33xf32, #tpu.memory_space<hbm>> -> memref<256x33xf32, #tpu.memory_space<hbm>>
      tpu.wait_dma2 semaphore(%run_scoped3A_137 : memref<!tpu.dma_semaphore, #tpu.memory_space<semaphore_mem>>) src(%arg14 : memref<256x33xf32, #tpu.memory_space<vmem>>) dst(%dma_wait3A_149 : memref<256x33xf32, #tpu.memory_space<hbm>>)
      tpu.yield
    }) : () -> ()
    %run_scoped3A_112 = arith.constant 4 : i32
    "tpu.region"() ({
      %run_scoped3A_137 = tpu.sem_alloc : memref<!tpu.dma_semaphore, #tpu.memory_space<semaphore_mem>>
      %dma_start3A_138 = arith.constant 0 : i32
      %dma_start3A_139 = tpu.memref_slice %arg6[%select_n3A, %run_scoped3A_112, %mul3A_32, %dma_start3A_138] : memref<8x70x1024x33xf32, #tpu.memory_space<hbm>> -> memref<1x1x256x33xf32, #tpu.memory_space<hbm>>
      %dma_start3A_140 = tpu.memref_squeeze %dma_start3A_139 : memref<1x1x256x33xf32, #tpu.memory_space<hbm>> -> memref<256x33xf32, #tpu.memory_space<hbm>>
      %dma_start3A_141 = arith.constant 0 : i32
      %dma_start3A_142 = tpu.memref_slice %arg6[%select_n3A, %run_scoped3A_112, %mul3A_32, %dma_start3A_141] : memref<8x70x1024x33xf32, #tpu.memory_space<hbm>> -> memref<1x1x256x33xf32, #tpu.memory_space<hbm>>
      %dma_start3A_143 = tpu.memref_squeeze %dma_start3A_142 : memref<1x1x256x33xf32, #tpu.memory_space<hbm>> -> memref<256x33xf32, #tpu.memory_space<hbm>>
      tpu.enqueue_dma source(%arg14 : memref<256x33xf32, #tpu.memory_space<vmem>>) target(%dma_start3A_143 : memref<256x33xf32, #tpu.memory_space<hbm>>) target_semaphore(%run_scoped3A_137 : memref<!tpu.dma_semaphore, #tpu.memory_space<semaphore_mem>>)
      %dma_wait3A_144 = arith.constant 0 : i32
      %dma_wait3A_145 = tpu.memref_slice %arg6[%select_n3A, %run_scoped3A_112, %mul3A_32, %dma_wait3A_144] : memref<8x70x1024x33xf32, #tpu.memory_space<hbm>> -> memref<1x1x256x33xf32, #tpu.memory_space<hbm>>
      %dma_wait3A_146 = tpu.memref_squeeze %dma_wait3A_145 : memref<1x1x256x33xf32, #tpu.memory_space<hbm>> -> memref<256x33xf32, #tpu.memory_space<hbm>>
      %dma_wait3A_147 = arith.constant 0 : i32
      %dma_wait3A_148 = tpu.memref_slice %arg6[%select_n3A, %run_scoped3A_112, %mul3A_32, %dma_wait3A_147] : memref<8x70x1024x33xf32, #tpu.memory_space<hbm>> -> memref<1x1x256x33xf32, #tpu.memory_space<hbm>>
      %dma_wait3A_149 = tpu.memref_squeeze %dma_wait3A_148 : memref<1x1x256x33xf32, #tpu.memory_space<hbm>> -> memref<256x33xf32, #tpu.memory_space<hbm>>
      tpu.wait_dma2 semaphore(%run_scoped3A_137 : memref<!tpu.dma_semaphore, #tpu.memory_space<semaphore_mem>>) src(%arg14 : memref<256x33xf32, #tpu.memory_space<vmem>>) dst(%dma_wait3A_149 : memref<256x33xf32, #tpu.memory_space<hbm>>)
      tpu.yield
    }) : () -> ()
    %parallel_loop3A_113 = arith.constant 0 : i32
    %parallel_loop3A_114 = arith.constant 8448 : i32
    %parallel_loop3A_115 = arith.constant 16 : i32
    scf.for %parallel_loop3A_137 = %parallel_loop3A_113 to %parallel_loop3A_114 step %parallel_loop3A_115  : i32 {
      %parallel_loop3A_138 = arith.index_cast %parallel_loop3A_137 : i32 to index
      %parallel_loop3A_139 = tpu.vector_load %arg10[%parallel_loop3A_138] {strides = array<i32>} : memref<8448xi32, #tpu.memory_space<vmem>>, vector<16xi32>,
      %parallel_loop3A_140 = arith.constant 16384 : i32
      %parallel_loop3A_141 = vector.broadcast %parallel_loop3A_140 : i32 to vector<16xi32>
      %parallel_loop3A_142 = arith.addi %parallel_loop3A_139, %parallel_loop3A_141 : vector<16xi32>
      %parallel_loop3A_143 = tpu.vector_load_idx %arg7[%parallel_loop3A_142] : memref<24576xf32, #tpu.memory_space<vmem>>[vector<16xi32>], vector<16xf32>,
      %parallel_loop3A_144 = vector.broadcast %parallel_loop3A_137 : i32 to vector<16xi32>
      %parallel_loop3A_145 = arith.addi %parallel_loop3A_144, %iota3A : vector<16xi32>
      %parallel_loop3A_146 = arith.constant 33 : i32
      %parallel_loop3A_147 = vector.broadcast %parallel_loop3A_146 : i32 to vector<16xi32>
      %parallel_loop3A_148 = arith.divsi %parallel_loop3A_145, %parallel_loop3A_147 : vector<16xi32>
      %parallel_loop3A_149 = arith.constant 512 : i32
      %parallel_loop3A_150 = vector.broadcast %parallel_loop3A_149 : i32 to vector<16xi32>
      %parallel_loop3A_151 = arith.addi %parallel_loop3A_148, %parallel_loop3A_150 : vector<16xi32>
      %parallel_loop3A_152 = tpu.vector_load_idx %arg8[%parallel_loop3A_151] : memref<768xf32, #tpu.memory_space<vmem>>[vector<16xi32>], vector<16xf32>,
      %parallel_loop3A_153 = arith.subf %parallel_loop3A_143, %parallel_loop3A_152 : vector<16xf32>
      %parallel_loop3A_154 = arith.constant 33 : i32
      %parallel_loop3A_155 = vector.broadcast %parallel_loop3A_154 : i32 to vector<16xi32>
      %parallel_loop3A_156 = arith.muli %parallel_loop3A_148, %parallel_loop3A_155 : vector<16xi32>
      %parallel_loop3A_157 = arith.subi %parallel_loop3A_145, %parallel_loop3A_156 : vector<16xi32>
      tpu.vector_store_idx %arg14[%parallel_loop3A_148, %parallel_loop3A_157], %parallel_loop3A_153 : memref<256x33xf32, #tpu.memory_space<vmem>>[vector<16xi32>, vector<16xi32>], vector<16xf32>,
    } {sc.loop_unroll_factor = 8 : i64, sc.parallel_access}
    %run_scoped3A_116 = arith.constant 2 : i32
    "tpu.region"() ({
      %run_scoped3A_137 = tpu.sem_alloc : memref<!tpu.dma_semaphore, #tpu.memory_space<semaphore_mem>>
      %dma_start3A_138 = arith.constant 0 : i32
      %dma_start3A_139 = tpu.memref_slice %arg6[%select_n3A, %run_scoped3A_116, %mul3A_32, %dma_start3A_138] : memref<8x70x1024x33xf32, #tpu.memory_space<hbm>> -> memref<1x1x256x33xf32, #tpu.memory_space<hbm>>
      %dma_start3A_140 = tpu.memref_squeeze %dma_start3A_139 : memref<1x1x256x33xf32, #tpu.memory_space<hbm>> -> memref<256x33xf32, #tpu.memory_space<hbm>>
      %dma_start3A_141 = arith.constant 0 : i32
      %dma_start3A_142 = tpu.memref_slice %arg6[%select_n3A, %run_scoped3A_116, %mul3A_32, %dma_start3A_141] : memref<8x70x1024x33xf32, #tpu.memory_space<hbm>> -> memref<1x1x256x33xf32, #tpu.memory_space<hbm>>
      %dma_start3A_143 = tpu.memref_squeeze %dma_start3A_142 : memref<1x1x256x33xf32, #tpu.memory_space<hbm>> -> memref<256x33xf32, #tpu.memory_space<hbm>>
      tpu.enqueue_dma source(%arg14 : memref<256x33xf32, #tpu.memory_space<vmem>>) target(%dma_start3A_143 : memref<256x33xf32, #tpu.memory_space<hbm>>) target_semaphore(%run_scoped3A_137 : memref<!tpu.dma_semaphore, #tpu.memory_space<semaphore_mem>>)
      %dma_wait3A_144 = arith.constant 0 : i32
      %dma_wait3A_145 = tpu.memref_slice %arg6[%select_n3A, %run_scoped3A_116, %mul3A_32, %dma_wait3A_144] : memref<8x70x1024x33xf32, #tpu.memory_space<hbm>> -> memref<1x1x256x33xf32, #tpu.memory_space<hbm>>
      %dma_wait3A_146 = tpu.memref_squeeze %dma_wait3A_145 : memref<1x1x256x33xf32, #tpu.memory_space<hbm>> -> memref<256x33xf32, #tpu.memory_space<hbm>>
      %dma_wait3A_147 = arith.constant 0 : i32
      %dma_wait3A_148 = tpu.memref_slice %arg6[%select_n3A, %run_scoped3A_116, %mul3A_32, %dma_wait3A_147] : memref<8x70x1024x33xf32, #tpu.memory_space<hbm>> -> memref<1x1x256x33xf32, #tpu.memory_space<hbm>>
      %dma_wait3A_149 = tpu.memref_squeeze %dma_wait3A_148 : memref<1x1x256x33xf32, #tpu.memory_space<hbm>> -> memref<256x33xf32, #tpu.memory_space<hbm>>
      tpu.wait_dma2 semaphore(%run_scoped3A_137 : memref<!tpu.dma_semaphore, #tpu.memory_space<semaphore_mem>>) src(%arg14 : memref<256x33xf32, #tpu.memory_space<vmem>>) dst(%dma_wait3A_149 : memref<256x33xf32, #tpu.memory_space<hbm>>)
      tpu.yield
    }) : () -> ()
    %run_scoped3A_117 = arith.constant 5 : i32
    "tpu.region"() ({
      %run_scoped3A_137 = tpu.sem_alloc : memref<!tpu.dma_semaphore, #tpu.memory_space<semaphore_mem>>
      %dma_start3A_138 = arith.constant 0 : i32
      %dma_start3A_139 = tpu.memref_slice %arg6[%select_n3A, %run_scoped3A_117, %mul3A_32, %dma_start3A_138] : memref<8x70x1024x33xf32, #tpu.memory_space<hbm>> -> memref<1x1x256x33xf32, #tpu.memory_space<hbm>>
      %dma_start3A_140 = tpu.memref_squeeze %dma_start3A_139 : memref<1x1x256x33xf32, #tpu.memory_space<hbm>> -> memref<256x33xf32, #tpu.memory_space<hbm>>
      %dma_start3A_141 = arith.constant 0 : i32
      %dma_start3A_142 = tpu.memref_slice %arg6[%select_n3A, %run_scoped3A_117, %mul3A_32, %dma_start3A_141] : memref<8x70x1024x33xf32, #tpu.memory_space<hbm>> -> memref<1x1x256x33xf32, #tpu.memory_space<hbm>>
      %dma_start3A_143 = tpu.memref_squeeze %dma_start3A_142 : memref<1x1x256x33xf32, #tpu.memory_space<hbm>> -> memref<256x33xf32, #tpu.memory_space<hbm>>
      tpu.enqueue_dma source(%arg14 : memref<256x33xf32, #tpu.memory_space<vmem>>) target(%dma_start3A_143 : memref<256x33xf32, #tpu.memory_space<hbm>>) target_semaphore(%run_scoped3A_137 : memref<!tpu.dma_semaphore, #tpu.memory_space<semaphore_mem>>)
      %dma_wait3A_144 = arith.constant 0 : i32
      %dma_wait3A_145 = tpu.memref_slice %arg6[%select_n3A, %run_scoped3A_117, %mul3A_32, %dma_wait3A_144] : memref<8x70x1024x33xf32, #tpu.memory_space<hbm>> -> memref<1x1x256x33xf32, #tpu.memory_space<hbm>>
      %dma_wait3A_146 = tpu.memref_squeeze %dma_wait3A_145 : memref<1x1x256x33xf32, #tpu.memory_space<hbm>> -> memref<256x33xf32, #tpu.memory_space<hbm>>
      %dma_wait3A_147 = arith.constant 0 : i32
      %dma_wait3A_148 = tpu.memref_slice %arg6[%select_n3A, %run_scoped3A_117, %mul3A_32, %dma_wait3A_147] : memref<8x70x1024x33xf32, #tpu.memory_space<hbm>> -> memref<1x1x256x33xf32, #tpu.memory_space<hbm>>
      %dma_wait3A_149 = tpu.memref_squeeze %dma_wait3A_148 : memref<1x1x256x33xf32, #tpu.memory_space<hbm>> -> memref<256x33xf32, #tpu.memory_space<hbm>>
      tpu.wait_dma2 semaphore(%run_scoped3A_137 : memref<!tpu.dma_semaphore, #tpu.memory_space<semaphore_mem>>) src(%arg14 : memref<256x33xf32, #tpu.memory_space<vmem>>) dst(%dma_wait3A_149 : memref<256x33xf32, #tpu.memory_space<hbm>>)
      tpu.yield
    }) : () -> ()
    %scan3A_118 = arith.constant 0 : i32
    %scan3A_119 = arith.constant 0 : i32
    %scan3A_120 = arith.constant 32 : i32
    %scan3A_121 = arith.addi %scan3A_119, %scan3A_120 : i32
    %scan3A_122 = arith.constant 1 : i32
    scf.for %scan3A_137 = %scan3A_119 to %scan3A_121 step %scan3A_122  : i32 {
      %mul3A_138 = arith.constant 2 : i32
      %mul3A_139 = arith.muli %mul3A_138, %scan3A_137 : i32
      %add3A_140 = arith.constant 6 : i32
      %add3A_141 = arith.addi %add3A_140, %mul3A_139 : i32
      %add3A_142 = arith.constant 1 : i32
      %add3A_143 = arith.addi %add3A_141, %add3A_142 : i32
      %mul3A_144 = arith.constant 64 : i32
      %mul3A_145 = arith.muli %select_n3A, %mul3A_144 : i32
      %add3A_146 = arith.addi %mul3A_145, %add3A_141 : i32
      %sub3A_147 = arith.constant 6 : i32
      %sub3A_148 = arith.subi %add3A_146, %sub3A_147 : i32
      %mul3A_149 = arith.constant 8192 : i32
      %mul3A_150 = arith.muli %sub3A_148, %mul3A_149 : i32
      %dma_wait3A_151 = tpu.memref_slice %arg5[%mul3A_150] : memref<4194304xf32, #tpu.memory_space<hbm>> -> memref<8192xf32, #tpu.memory_space<hbm>>
      %dma_wait3A_152 = tpu.memref_slice %arg5[%mul3A_150] : memref<4194304xf32, #tpu.memory_space<hbm>> -> memref<8192xf32, #tpu.memory_space<hbm>>
      tpu.wait_dma2 semaphore(%arg16 : memref<!tpu.dma_semaphore, #tpu.memory_space<semaphore_mem>>) src(%dma_wait3A_152 : memref<8192xf32, #tpu.memory_space<hbm>>) dst(%arg12 : memref<8192xf32, #tpu.memory_space<vmem>>)
      %gt3A = arith.constant 0 : i32
      %gt3A_153 = arith.cmpi sgt, %scan3A_137, %gt3A : i32
      %convert_element_type3A = arith.extui %gt3A_153 : i1 to i32
      %cond3A = arith.constant 0 : i32
      %cond3A_154 = arith.cmpi ne, %convert_element_type3A, %cond3A : i32
      scf.if %cond3A_154 {
        %sub3A_197 = arith.constant 2 : i32
        %sub3A_198 = arith.subi %add3A_141, %sub3A_197 : i32
        %dma_wait3A_199 = arith.constant 0 : i32
        %dma_wait3A_200 = tpu.memref_slice %arg6[%select_n3A, %sub3A_198, %mul3A_32, %dma_wait3A_199] : memref<8x70x1024x33xf32, #tpu.memory_space<hbm>> -> memref<1x1x256x33xf32, #tpu.memory_space<hbm>>
        %dma_wait3A_201 = tpu.memref_squeeze %dma_wait3A_200 : memref<1x1x256x33xf32, #tpu.memory_space<hbm>> -> memref<256x33xf32, #tpu.memory_space<hbm>>
        %dma_wait3A_202 = arith.constant 0 : i32
        %dma_wait3A_203 = tpu.memref_slice %arg6[%select_n3A, %sub3A_198, %mul3A_32, %dma_wait3A_202] : memref<8x70x1024x33xf32, #tpu.memory_space<hbm>> -> memref<1x1x256x33xf32, #tpu.memory_space<hbm>>
        %dma_wait3A_204 = tpu.memref_squeeze %dma_wait3A_203 : memref<1x1x256x33xf32, #tpu.memory_space<hbm>> -> memref<256x33xf32, #tpu.memory_space<hbm>>
        tpu.wait_dma2 semaphore(%arg18 : memref<!tpu.dma_semaphore, #tpu.memory_space<semaphore_mem>>) src(%arg14 : memref<256x33xf32, #tpu.memory_space<vmem>>) dst(%dma_wait3A_204 : memref<256x33xf32, #tpu.memory_space<hbm>>)
      } else {
      }
      %parallel_loop3A_155 = arith.constant 0 : i32
      %parallel_loop3A_156 = arith.constant 8448 : i32
      %parallel_loop3A_157 = arith.constant 16 : i32
      scf.for %parallel_loop3A_197 = %parallel_loop3A_155 to %parallel_loop3A_156 step %parallel_loop3A_157  : i32 {
        %parallel_loop3A_198 = arith.index_cast %parallel_loop3A_197 : i32 to index
        %parallel_loop3A_199 = tpu.vector_load %arg10[%parallel_loop3A_198] {strides = array<i32>} : memref<8448xi32, #tpu.memory_space<vmem>>, vector<16xi32>,
        %parallel_loop3A_200 = tpu.vector_load_idx %arg12[%parallel_loop3A_199] : memref<8192xf32, #tpu.memory_space<vmem>>[vector<16xi32>], vector<16xf32>,
        %parallel_loop3A_201 = vector.broadcast %parallel_loop3A_197 : i32 to vector<16xi32>
        %parallel_loop3A_202 = arith.addi %parallel_loop3A_201, %iota3A : vector<16xi32>
        %parallel_loop3A_203 = arith.constant 33 : i32
        %parallel_loop3A_204 = vector.broadcast %parallel_loop3A_203 : i32 to vector<16xi32>
        %parallel_loop3A_205 = arith.divsi %parallel_loop3A_202, %parallel_loop3A_204 : vector<16xi32>
        %parallel_loop3A_206 = arith.constant 33 : i32
        %parallel_loop3A_207 = vector.broadcast %parallel_loop3A_206 : i32 to vector<16xi32>
        %parallel_loop3A_208 = arith.muli %parallel_loop3A_205, %parallel_loop3A_207 : vector<16xi32>
        %parallel_loop3A_209 = arith.subi %parallel_loop3A_202, %parallel_loop3A_208 : vector<16xi32>
        tpu.vector_store_idx %arg14[%parallel_loop3A_205, %parallel_loop3A_209], %parallel_loop3A_200 : memref<256x33xf32, #tpu.memory_space<vmem>>[vector<16xi32>, vector<16xi32>], vector<16xf32>,
      } {sc.loop_unroll_factor = 8 : i64, sc.parallel_access}
      %lt3A_158 = arith.constant 31 : i32
      %lt3A_159 = arith.cmpi slt, %scan3A_137, %lt3A_158 : i32
      %convert_element_type3A_160 = arith.extui %lt3A_159 : i1 to i32
      %cond3A_161 = arith.constant 0 : i32
      %cond3A_162 = arith.cmpi ne, %convert_element_type3A_160, %cond3A_161 : i32
      scf.if %cond3A_162 {
        %add3A_197 = arith.constant 2 : i32
        %add3A_198 = arith.addi %add3A_141, %add3A_197 : i32
        %mul3A_199 = arith.constant 64 : i32
        %mul3A_200 = arith.muli %select_n3A, %mul3A_199 : i32
        %add3A_201 = arith.addi %mul3A_200, %add3A_198 : i32
        %sub3A_202 = arith.constant 6 : i32
        %sub3A_203 = arith.subi %add3A_201, %sub3A_202 : i32
        %mul3A_204 = arith.constant 8192 : i32
        %mul3A_205 = arith.muli %sub3A_203, %mul3A_204 : i32
        %dma_start3A_206 = tpu.memref_slice %arg5[%mul3A_205] : memref<4194304xf32, #tpu.memory_space<hbm>> -> memref<8192xf32, #tpu.memory_space<hbm>>
        %dma_start3A_207 = tpu.memref_slice %arg5[%mul3A_205] : memref<4194304xf32, #tpu.memory_space<hbm>> -> memref<8192xf32, #tpu.memory_space<hbm>>
        tpu.enqueue_dma source(%dma_start3A_207 : memref<8192xf32, #tpu.memory_space<hbm>>) target(%arg12 : memref<8192xf32, #tpu.memory_space<vmem>>) target_semaphore(%arg16 : memref<!tpu.dma_semaphore, #tpu.memory_space<semaphore_mem>>)
      } else {
      }
      %dma_start3A_163 = arith.constant 0 : i32
      %dma_start3A_164 = tpu.memref_slice %arg6[%select_n3A, %add3A_141, %mul3A_32, %dma_start3A_163] : memref<8x70x1024x33xf32, #tpu.memory_space<hbm>> -> memref<1x1x256x33xf32, #tpu.memory_space<hbm>>
      %dma_start3A_165 = tpu.memref_squeeze %dma_start3A_164 : memref<1x1x256x33xf32, #tpu.memory_space<hbm>> -> memref<256x33xf32, #tpu.memory_space<hbm>>
      %dma_start3A_166 = arith.constant 0 : i32
      %dma_start3A_167 = tpu.memref_slice %arg6[%select_n3A, %add3A_141, %mul3A_32, %dma_start3A_166] : memref<8x70x1024x33xf32, #tpu.memory_space<hbm>> -> memref<1x1x256x33xf32, #tpu.memory_space<hbm>>
      %dma_start3A_168 = tpu.memref_squeeze %dma_start3A_167 : memref<1x1x256x33xf32, #tpu.memory_space<hbm>> -> memref<256x33xf32, #tpu.memory_space<hbm>>
      tpu.enqueue_dma source(%arg14 : memref<256x33xf32, #tpu.memory_space<vmem>>) target(%dma_start3A_168 : memref<256x33xf32, #tpu.memory_space<hbm>>) target_semaphore(%arg18 : memref<!tpu.dma_semaphore, #tpu.memory_space<semaphore_mem>>)
      %mul3A_169 = arith.constant 64 : i32
      %mul3A_170 = arith.muli %select_n3A, %mul3A_169 : i32
      %add3A_171 = arith.addi %mul3A_170, %add3A_143 : i32
      %sub3A_172 = arith.constant 6 : i32
      %sub3A_173 = arith.subi %add3A_171, %sub3A_172 : i32
      %mul3A_174 = arith.constant 8192 : i32
      %mul3A_175 = arith.muli %sub3A_173, %mul3A_174 : i32
      %dma_wait3A_176 = tpu.memref_slice %arg5[%mul3A_175] : memref<4194304xf32, #tpu.memory_space<hbm>> -> memref<8192xf32, #tpu.memory_space<hbm>>
      %dma_wait3A_177 = tpu.memref_slice %arg5[%mul3A_175] : memref<4194304xf32, #tpu.memory_space<hbm>> -> memref<8192xf32, #tpu.memory_space<hbm>>
      tpu.wait_dma2 semaphore(%arg17 : memref<!tpu.dma_semaphore, #tpu.memory_space<semaphore_mem>>) src(%dma_wait3A_177 : memref<8192xf32, #tpu.memory_space<hbm>>) dst(%arg13 : memref<8192xf32, #tpu.memory_space<vmem>>)
      %gt3A_178 = arith.constant 0 : i32
      %gt3A_179 = arith.cmpi sgt, %scan3A_137, %gt3A_178 : i32
      %convert_element_type3A_180 = arith.extui %gt3A_179 : i1 to i32
      %cond3A_181 = arith.constant 0 : i32
      %cond3A_182 = arith.cmpi ne, %convert_element_type3A_180, %cond3A_181 : i32
      scf.if %cond3A_182 {
        %sub3A_197 = arith.constant 2 : i32
        %sub3A_198 = arith.subi %add3A_143, %sub3A_197 : i32
        %dma_wait3A_199 = arith.constant 0 : i32
        %dma_wait3A_200 = tpu.memref_slice %arg6[%select_n3A, %sub3A_198, %mul3A_32, %dma_wait3A_199] : memref<8x70x1024x33xf32, #tpu.memory_space<hbm>> -> memref<1x1x256x33xf32, #tpu.memory_space<hbm>>
        %dma_wait3A_201 = tpu.memref_squeeze %dma_wait3A_200 : memref<1x1x256x33xf32, #tpu.memory_space<hbm>> -> memref<256x33xf32, #tpu.memory_space<hbm>>
        %dma_wait3A_202 = arith.constant 0 : i32
        %dma_wait3A_203 = tpu.memref_slice %arg6[%select_n3A, %sub3A_198, %mul3A_32, %dma_wait3A_202] : memref<8x70x1024x33xf32, #tpu.memory_space<hbm>> -> memref<1x1x256x33xf32, #tpu.memory_space<hbm>>
        %dma_wait3A_204 = tpu.memref_squeeze %dma_wait3A_203 : memref<1x1x256x33xf32, #tpu.memory_space<hbm>> -> memref<256x33xf32, #tpu.memory_space<hbm>>
        tpu.wait_dma2 semaphore(%arg19 : memref<!tpu.dma_semaphore, #tpu.memory_space<semaphore_mem>>) src(%arg15 : memref<256x33xf32, #tpu.memory_space<vmem>>) dst(%dma_wait3A_204 : memref<256x33xf32, #tpu.memory_space<hbm>>)
      } else {
      }
      %parallel_loop3A_183 = arith.constant 0 : i32
      %parallel_loop3A_184 = arith.constant 8448 : i32
      %parallel_loop3A_185 = arith.constant 16 : i32
      scf.for %parallel_loop3A_197 = %parallel_loop3A_183 to %parallel_loop3A_184 step %parallel_loop3A_185  : i32 {
        %parallel_loop3A_198 = arith.index_cast %parallel_loop3A_197 : i32 to index
        %parallel_loop3A_199 = tpu.vector_load %arg10[%parallel_loop3A_198] {strides = array<i32>} : memref<8448xi32, #tpu.memory_space<vmem>>, vector<16xi32>,
        %parallel_loop3A_200 = tpu.vector_load_idx %arg13[%parallel_loop3A_199] : memref<8192xf32, #tpu.memory_space<vmem>>[vector<16xi32>], vector<16xf32>,
        %parallel_loop3A_201 = vector.broadcast %parallel_loop3A_197 : i32 to vector<16xi32>
        %parallel_loop3A_202 = arith.addi %parallel_loop3A_201, %iota3A : vector<16xi32>
        %parallel_loop3A_203 = arith.constant 33 : i32
        %parallel_loop3A_204 = vector.broadcast %parallel_loop3A_203 : i32 to vector<16xi32>
        %parallel_loop3A_205 = arith.divsi %parallel_loop3A_202, %parallel_loop3A_204 : vector<16xi32>
        %parallel_loop3A_206 = arith.constant 33 : i32
        %parallel_loop3A_207 = vector.broadcast %parallel_loop3A_206 : i32 to vector<16xi32>
        %parallel_loop3A_208 = arith.muli %parallel_loop3A_205, %parallel_loop3A_207 : vector<16xi32>
        %parallel_loop3A_209 = arith.subi %parallel_loop3A_202, %parallel_loop3A_208 : vector<16xi32>
        tpu.vector_store_idx %arg15[%parallel_loop3A_205, %parallel_loop3A_209], %parallel_loop3A_200 : memref<256x33xf32, #tpu.memory_space<vmem>>[vector<16xi32>, vector<16xi32>], vector<16xf32>,
      } {sc.loop_unroll_factor = 8 : i64, sc.parallel_access}
      %lt3A_186 = arith.constant 31 : i32
      %lt3A_187 = arith.cmpi slt, %scan3A_137, %lt3A_186 : i32
      %convert_element_type3A_188 = arith.extui %lt3A_187 : i1 to i32
      %cond3A_189 = arith.constant 0 : i32
      %cond3A_190 = arith.cmpi ne, %convert_element_type3A_188, %cond3A_189 : i32
      scf.if %cond3A_190 {
        %add3A_197 = arith.constant 2 : i32
        %add3A_198 = arith.addi %add3A_143, %add3A_197 : i32
        %mul3A_199 = arith.constant 64 : i32
        %mul3A_200 = arith.muli %select_n3A, %mul3A_199 : i32
        %add3A_201 = arith.addi %mul3A_200, %add3A_198 : i32
        %sub3A_202 = arith.constant 6 : i32
        %sub3A_203 = arith.subi %add3A_201, %sub3A_202 : i32
        %mul3A_204 = arith.constant 8192 : i32
        %mul3A_205 = arith.muli %sub3A_203, %mul3A_204 : i32
        %dma_start3A_206 = tpu.memref_slice %arg5[%mul3A_205] : memref<4194304xf32, #tpu.memory_space<hbm>> -> memref<8192xf32, #tpu.memory_space<hbm>>
        %dma_start3A_207 = tpu.memref_slice %arg5[%mul3A_205] : memref<4194304xf32, #tpu.memory_space<hbm>> -> memref<8192xf32, #tpu.memory_space<hbm>>
        tpu.enqueue_dma source(%dma_start3A_207 : memref<8192xf32, #tpu.memory_space<hbm>>) target(%arg13 : memref<8192xf32, #tpu.memory_space<vmem>>) target_semaphore(%arg17 : memref<!tpu.dma_semaphore, #tpu.memory_space<semaphore_mem>>)
      } else {
      }
      %dma_start3A_191 = arith.constant 0 : i32
      %dma_start3A_192 = tpu.memref_slice %arg6[%select_n3A, %add3A_143, %mul3A_32, %dma_start3A_191] : memref<8x70x1024x33xf32, #tpu.memory_space<hbm>> -> memref<1x1x256x33xf32, #tpu.memory_space<hbm>>
      %dma_start3A_193 = tpu.memref_squeeze %dma_start3A_192 : memref<1x1x256x33xf32, #tpu.memory_space<hbm>> -> memref<256x33xf32, #tpu.memory_space<hbm>>
      %dma_start3A_194 = arith.constant 0 : i32
      %dma_start3A_195 = tpu.memref_slice %arg6[%select_n3A, %add3A_143, %mul3A_32, %dma_start3A_194] : memref<8x70x1024x33xf32, #tpu.memory_space<hbm>> -> memref<1x1x256x33xf32, #tpu.memory_space<hbm>>
      %dma_start3A_196 = tpu.memref_squeeze %dma_start3A_195 : memref<1x1x256x33xf32, #tpu.memory_space<hbm>> -> memref<256x33xf32, #tpu.memory_space<hbm>>
      tpu.enqueue_dma source(%arg15 : memref<256x33xf32, #tpu.memory_space<vmem>>) target(%dma_start3A_196 : memref<256x33xf32, #tpu.memory_space<hbm>>) target_semaphore(%arg19 : memref<!tpu.dma_semaphore, #tpu.memory_space<semaphore_mem>>)
    }
    %scan3A_123 = arith.constant 32 : i32
    %dma_wait3A = arith.constant 68 : i32
    %dma_wait3A_124 = arith.constant 0 : i32
    %dma_wait3A_125 = tpu.memref_slice %arg6[%select_n3A, %dma_wait3A, %mul3A_32, %dma_wait3A_124] : memref<8x70x1024x33xf32, #tpu.memory_space<hbm>> -> memref<1x1x256x33xf32, #tpu.memory_space<hbm>>
    %dma_wait3A_126 = tpu.memref_squeeze %dma_wait3A_125 : memref<1x1x256x33xf32, #tpu.memory_space<hbm>> -> memref<256x33xf32, #tpu.memory_space<hbm>>
    %dma_wait3A_127 = arith.constant 0 : i32
    %dma_wait3A_128 = tpu.memref_slice %arg6[%select_n3A, %dma_wait3A, %mul3A_32, %dma_wait3A_127] : memref<8x70x1024x33xf32, #tpu.memory_space<hbm>> -> memref<1x1x256x33xf32, #tpu.memory_space<hbm>>
    %dma_wait3A_129 = tpu.memref_squeeze %dma_wait3A_128 : memref<1x1x256x33xf32, #tpu.memory_space<hbm>> -> memref<256x33xf32, #tpu.memory_space<hbm>>
    tpu.wait_dma2 semaphore(%arg18 : memref<!tpu.dma_semaphore, #tpu.memory_space<semaphore_mem>>) src(%arg14 : memref<256x33xf32, #tpu.memory_space<vmem>>) dst(%dma_wait3A_129 : memref<256x33xf32, #tpu.memory_space<hbm>>)
    %dma_wait3A_130 = arith.constant 69 : i32
    %dma_wait3A_131 = arith.constant 0 : i32
    %dma_wait3A_132 = tpu.memref_slice %arg6[%select_n3A, %dma_wait3A_130, %mul3A_32, %dma_wait3A_131] : memref<8x70x1024x33xf32, #tpu.memory_space<hbm>> -> memref<1x1x256x33xf32, #tpu.memory_space<hbm>>
    %dma_wait3A_133 = tpu.memref_squeeze %dma_wait3A_132 : memref<1x1x256x33xf32, #tpu.memory_space<hbm>> -> memref<256x33xf32, #tpu.memory_space<hbm>>
    %dma_wait3A_134 = arith.constant 0 : i32
    %dma_wait3A_135 = tpu.memref_slice %arg6[%select_n3A, %dma_wait3A_130, %mul3A_32, %dma_wait3A_134] : memref<8x70x1024x33xf32, #tpu.memory_space<hbm>> -> memref<1x1x256x33xf32, #tpu.memory_space<hbm>>
    %dma_wait3A_136 = tpu.memref_squeeze %dma_wait3A_135 : memref<1x1x256x33xf32, #tpu.memory_space<hbm>> -> memref<256x33xf32, #tpu.memory_space<hbm>>
    tpu.wait_dma2 semaphore(%arg19 : memref<!tpu.dma_semaphore, #tpu.memory_space<semaphore_mem>>) src(%arg15 : memref<256x33xf32, #tpu.memory_space<vmem>>) dst(%dma_wait3A_136 : memref<256x33xf32, #tpu.memory_space<hbm>>)
    return
  }
}

</mosaic_0001>

<sc_bundles>
// kernel: kernel.3.cloned.1.call-start
scs
__scs_entry_jumppad:
0x0: {  	(pc) =	sbr.rel $0x88, $3  }
0x1: {  	(tag) =	ssettag $0x0;
	lr =	simm.s32 $0x1  }
0x2: {  	[smem:$0x3F9D] =	sst lr;
	_ =	strace $0xD0000000  }
0x3: {  	_ = 	snop  }
0x4: {  	_ = 	snop  }
0x5: {  	_ = 	snop  }
0x6: {  	_ = 	snop  }
0x7: {  	_ = 	snop  }
__scs_overlays_trampoline_lowered:
0x8: {  	[smem:$0x3FAC] =	sst s0  }
0x9: {  	[smem:$0x3FAD] =	sst s1  }
0xa: {  	[smem:$0x3FAE] =	sst s2  }
0xb: {  	[smem:$0x3FAF] =	sst s3  }
0xc: {  	[smem:$0x3FB0] =	sst s4  }
0xd: {  	[smem:$0x3FB1] =	sst s5  }
0xe: {  	[smem:$0x3FB2] =	sst s6  }
0xf: {  	[smem:$0x3FB3] =	sst s7  }
0x10: {  	[smem:$0x3FB4] =	sst s8  }
0x11: {  	[smem:$0x3FB5] =	sst s9;
	s0 =	simm.s32 @!p0 $0x0  }
0x12: {  	s1 =	sld [smem:$0x3F9B];
	s0 =	simm.s32 @p0 $0x1  }
0x13: {  	[smem:$0x3FB6] =	sst s0;
	s0 =	simm.s32 @!p1 $0x0  }
0x14: {  	s2 =	sld [smem:$0x3F9A];
	s0 =	simm.s32 @p1 $0x1  }
0x15: {  	[smem:$0x3FB7] =	sst s0;
	s0 =	simm.s32 @!p2 $0x0  }
0x16: {  	s3 =	sld [smem:$0x3FDB];
	s0 =	simm.s32 @p2 $0x1  }
0x17: {  	s4 =	simm.s32 $0x1BF5;
	[smem:$0x3FB9] =	sst s0  }
0x18: {  	s0 =	sld [smem:$0x3F9C];
	_ =	swait.ge [sflag:s4], $0x0  }
0x19: {  	s7 =	sld [smem:$0x3F9D]  }
0x1a: {  	s8 =	sadd.s32 $0xFFFFE003, lr  }
0x1b: {  	s9 =	sadd.s32 $0xFFFFFEF7, lr;
	s5 =	simm.s32 $0xFFFFFFFF;
	p2 =	slt.u32 s8, $0xFFFFF086  }
0x1c: {  	p1 =	slt.u32 s9, $0xF7A;
	s5 =	simm.s32 @!p2 $0x0  }
0x1d: {  	s5 =	simm.s32 @p1 $0x1;
	p0 =	seq.s32 s7, s2  }
0x1e: {  	s7 =	smul.u32 @!p0 $0xF7A, s2;
	p2 =	seq.s32 @!p0 s5, $0x0  }
0x1f: {  	s9 =	smul.u32 $0xF7A, s1;
	s8 =	simm.s32 @!p0 $0x1BF5;
	p2 =	por !p2, p0  }
0x20: {  	[sflag:s8] =	ssyncset.s32 @!p0 $0xFFFFF086;
	s6 =	sadd.s32 @!p0 s3, s7;
	s7 =	simm.s32 @!p0 $0x108  }
0x21: {  	s3 =	sadd.s32 s3, s9;
	s6 =	sadd.s32 @!p0 $0x88, s6;
	s7 =	simm.s32 @p2 $0x1082  }
0x22: {  	[simem:s7], [sflag:s8] =	dma.local @!p0 [hbm:s6], $0xF7A  }
0x23: {  	s9 =	sor.u32 $0xD0000000, s2;
	s6 =	simm.s32 $0x108;
	_ =	swait.ge @!p0 [sflag:s8], $0x0  }
0x24: {  	s3 =	sadd.s32 $0x88, s3;
	s6 =	simm.s32 @!p1 $0x1082;
	[sflag:s4] =	ssyncset.s32 $0xFFFFF086  }
0x25: {  	[simem:s6], [sflag:s4] =	dma.local [hbm:s3], $0xF7A  }
0x26: {  	[smem:$0x3F9D] =	sst s1;
	(tag) =	ssettag s2;
	_ =	strace s9  }
0x27: {  	s1 =	sld [smem:$0x3FAD]  }
0x28: {  	s2 =	sld [smem:$0x3FAE]  }
0x29: {  	s4 =	sld [smem:$0x3FB0]  }
0x2a: {  	p0 =	seq.s32 s5, $0x0;
	s5 =	sld [smem:$0x3FB1]  }
0x2b: {  	s6 =	sld [smem:$0x3FB2]  }
0x2c: {  	s7 =	sld [smem:$0x3FB3]  }
0x2d: {  	s3 =	simm.s32 $0x108;
	s8 =	sld [smem:$0x3FB4]  }
0x2e: {  	s3 =	simm.s32 @!p0 $0x1082;
	s9 =	sld [smem:$0x3FB5]  }
0x2f: {  	lr =	sadd.s32 s0, s3;
	s0 =	sld [smem:$0x3FAC]  }
0x30: {  	s3 =	sld [smem:$0x3FAF]  }
0x31: {  	[smem:$0x3FB8] =	sst s10  }
0x32: {  	s10 =	sld [smem:$0x3FB6];
	_ =	sdelay $0x3  }
0x33: {  	p0 =	seq.s32 s10, $0x1;
	s10 =	sld [smem:$0x3FB8];
	_ =	sdelay $0x3  }
0x34: {  	[smem:$0x3FB8] =	sst s10  }
0x35: {  	s10 =	sld [smem:$0x3FB7];
	_ =	sdelay $0x3  }
0x36: {  	p1 =	seq.s32 s10, $0x1;
	s10 =	sld [smem:$0x3FB8];
	_ =	sdelay $0x3  }
0x37: {  	[smem:$0x3FB8] =	sst s10  }
0x38: {  	s10 =	sld [smem:$0x3FB9]  }
0x39: {  	_ = 	snop;
	(pc) =	sbr.ind lr, $3  }
0x3a: {  	_ = 	snop  }
0x3b: {  	_ = 	snop  }
0x3c: {  	p2 =	seq.s32 s10, $0x1;
	s10 =	sld [smem:$0x3FB8]  }
0x3d: {  	_ =	shalt  }
0x3e: {  	_ =	shalt  }
0x3f: {  	_ =	shalt  }
0x40: {  	_ =	shalt  }
0x41: {  	_ =	shalt  }
0x42: {  	_ =	shalt  }
0x43: {  	_ =	shalt  }
0x44: {  	_ =	shalt  }
0x45: {  	_ =	shalt  }
0x46: {  	_ =	shalt  }
0x47: {  	_ =	shalt  }
0x48: {  	_ =	shalt  }
0x49: {  	_ =	shalt  }
0x4a: {  	_ =	shalt  }
0x4b: {  	_ =	shalt  }
0x4c: {  	_ =	shalt  }
0x4d: {  	_ =	shalt  }
0x4e: {  	_ =	shalt  }
0x4f: {  	_ =	shalt  }
0x50: {  	_ =	shalt  }
0x51: {  	_ =	shalt  }
0x52: {  	_ =	shalt  }
0x53: {  	_ =	shalt  }
0x54: {  	_ =	shalt  }
0x55: {  	_ =	shalt  }
0x56: {  	_ =	shalt  }
0x57: {  	_ =	shalt  }
0x58: {  	_ =	shalt  }
0x59: {  	_ =	shalt  }
0x5a: {  	_ =	shalt  }
0x5b: {  	_ =	shalt  }
0x5c: {  	_ =	shalt  }
0x5d: {  	_ =	shalt  }
0x5e: {  	_ =	shalt  }
0x5f: {  	_ =	shalt  }
0x60: {  	_ =	shalt  }
0x61: {  	_ =	shalt  }
0x62: {  	_ =	shalt  }
0x63: {  	_ =	shalt  }
0x64: {  	_ =	shalt  }
0x65: {  	_ =	shalt  }
0x66: {  	_ =	shalt  }
0x67: {  	_ =	shalt  }
0x68: {  	_ =	shalt  }
0x69: {  	_ =	shalt  }
0x6a: {  	_ =	shalt  }
0x6b: {  	_ =	shalt  }
0x6c: {  	_ =	shalt  }
0x6d: {  	_ =	shalt  }
0x6e: {  	_ =	shalt  }
0x6f: {  	_ =	shalt  }
0x70: {  	_ =	shalt  }
0x71: {  	_ =	shalt  }
0x72: {  	_ =	shalt  }
0x73: {  	_ =	shalt  }
0x74: {  	_ =	shalt  }
0x75: {  	_ =	shalt  }
0x76: {  	_ =	shalt  }
0x77: {  	_ =	shalt  }
0x78: {  	_ =	shalt  }
0x79: {  	_ =	shalt  }
0x7a: {  	_ =	shalt  }
0x7b: {  	_ =	shalt  }
0x7c: {  	_ =	shalt  }
0x7d: {  	_ =	shalt  }
0x7e: {  	_ =	shalt  }
0x7f: {  	_ =	shalt  }
0x80: {  	_ =	shalt  }
0x81: {  	_ =	shalt  }
0x82: {  	_ =	shalt  }
0x83: {  	_ =	shalt  }
0x84: {  	_ =	shalt  }
0x85: {  	_ =	shalt  }
0x86: {  	_ =	shalt  }
0x87: {  	_ =	shalt  }
.Lfunc_end0:
.L_simem_size_0:
called_computation_lowered:
.L_overlay_start_0:
0x88: {  	s2 =	sld [smem:$0x3FD9]  }
0x89: {  	s3 =	sld [smem:$0x3FFE];
	_ =	sdelay $0x1  }
0x8a: {  	s1 =	srdreg.scid  }
0x8b: {  	s0 =	sand.u32 $0x1, s1  }
0x8c: {  	s17 =	sshll.u32 s0, $0xA;
	s2 =	sadd.s32 s3, s2  }
0x8d: {  	s2 =	sadd.s32 s2, s17  }
0x8e: {  	[smem:$0x3FC4] =	sst s2  }
0x8f: {  	_ = 	snop  }
0x90: {  	s2 =	sld [smem:$0x3FD0];
	(tm) =	ssettm $0x1  }
0x91: {  	s18 =	sld [smem:$0x3FFB];
	_ =	sdelay $0x3  }
0x92: {  	_ =	strace s18  }
0x93: {  	s3 =	sld [smem:$0x3FFC];
	_ =	sdelay $0x3  }
0x94: {  	_ =	strace s3  }
0x95: {  	s3 =	sld [smem:$0x3FFD];
	_ =	sdelay $0x3  }
0x96: {  	_ =	strace s3  }
0x97: {  	_ =	strace $0x8FFFFFFF  }
0x98: {  	s19 =	sld [smem:$0x3FDB];
	_ =	sdelay $0x1  }
0x99: {  	s4 =	simm.s32 $_scs_section_size  }
0x9a: {  	s5 =	simm.s32 $_size__tile_overlayer_lowered;
	s6 =	simm.s32 $_tile_overlayer_lowered  }
0x9b: {  	s22 =	simm.s32 $0x1BFF;
	s21 =	sshll.u32 s6, $0x1;
	s3 =	sadd.s32 s4, s19  }
0x9c: {  	s7 =	simm.s32 $0x0;
	s20 =	sshll.u32 s5, $0x1;
	s5 =	sadd.s32 s21, s3  }
0x9d: {  	[timem:s7], [sflag:s22] =	dma.local [hbm:s5], s20  }
0x9e: {  	_ =	swait.ge [sflag:s22], s20  }
0x9f: {  	s4 =	ssub.s32 $0x0, s20;
	[sflag:s22] =	ssyncset.done $0x0  }
0xa0: {  	[sflag:s22] =	ssyncadd.s32 s4;
	_ =	sdelay $0x1  }
0xa1: {  	s23 =	simm.s32 $0x1B8B  }
0xa2: {  	_ =	swait.ge [sflag:s23], $0x1  }
0xa3: {  	[sflag:s23] =	ssyncset.done $0x0  }
0xa4: {  	s25 =	simm.s32 $0x1B8E;
	s24 =	sld [smem:$0x3FFE];
	[sflag:s23] =	ssyncadd.s32 $0xFFFFFFFF  }
0xa5: {  	s26 =	simm.s32 $execute0_lowered;
	[smem:$0x3FD2] =	sst s25  }
0xa6: {  	s5 =	sshll.u32 s26, $0x1;
	_ =	strace $0x80000046;
	[dreg:$0x1] =	wrdreg $0xFFFFFFFF  }
0xa7: {  	s28 =	simm.s32 $_size_execute0_lowered;
	s3 =	sadd.s32 s3, s5;
	[dreg:$0x0] =	wrdreg $0x0  }
0xa8: {  	s5 =	sshll.u32 s28, $0x1;
	[dreg:$0x2] =	wrdreg s3  }
0xa9: {  	[dreg:$0x3] =	wrdreg s5  }
0xaa: {  	[dreg:$0x4] =	wrdreg $0xC0  }
0xab: {  	_ =	task [dreg:s7], $0x5FFFF  }
0xac: {  	[dreg:$0x1] =	wrdreg $0xFFFFFFFF  }
0xad: {  	[dreg:$0x0] =	wrdreg $0x60  }
0xae: {  	[dreg:$0x2] =	wrdreg s24  }
0xaf: {  	[dreg:$0x3] =	wrdreg s2  }
0xb0: {  	[dreg:$0x4] =	wrdreg $0x9  }
0xb1: {  	_ =	task.clear_ibuf [dreg:s7], $0x5FFFF;
	_ =	strace $0x90000046  }
0xb2: {  	s29 =	simm.s32 $0x9;
	_ =	strace $0x80000048  }
0xb3: {  	_ =	swait.ge [sflag:s29], $0x1  }
0xb4: {  	[sflag:s29] =	ssyncadd.s32 $0xFFFFFFFF  }
0xb5: {  	_ =	strace $0x90000048  }
0xb6: {  	_ =	sfence  }
0xb7: {  	s30 =	sld [smem:$0x0];
	_ =	sdelay $0x2  }
0xb8: {  	s31 =	sshll.u32 s1, $0xD;
	s1 =	sshrl.u32 s1, $0x2  }
0xb9: {  	s3 =	sand.u32 $0x4000, s31;
	s1 =	sadd.s32 s1, s30  }
0xba: {  	s0 =	sor.u32 s3, s0;
	s1 =	sshll.u32 s1, $0x11  }
0xbb: {  	s0 =	sor.u32 s1, s0  }
0xbc: {  	s0 =	sadd.s32 $0x8F2B, s0  }
0xbd: {  	[sflag:s0] =	ssyncadd.remote.s32 $0x1  }
0xbe: {  	_ =	sfence.sel $0xFFFF  }
0xbf: {  	[dreg:$0x0] =	wrdreg $0xFFFFFFFF;
	(pc) =	sbr.abs _section_cstart, $3  }
0xc0: {  	[dreg:$0x1] =	wrdreg $0xFFFFFFFF  }
0xc1: {  	_ =	task.clear_ibuf [dreg:s7], $0x2FFFF;
	_ =	strace $0x9FFFFFFF  }
0xc2: {  	(tm) =	ssettm $0x7FFFFFFF  }
0xc3: {  	_ =	shalt  }
tec
execute0_lowered:
.L_overlay_start_1:
0x0: {  	(tag) =	ssettag $0x1  }
0x1: {  	s0 =	rddreg [dreg:$0x0]  }
0x2: {  	s1 =	rddreg [dreg:$0x1]  }
0x3: {  	s2 =	simm.s32 $0x0;
	s5 =	stileid.u32;
	s3 =	srdreg.scid  }
0x4: {  	s28 =	simm.s32 $0x6400;
	s29 =	simm.s32 $0x8680;
	s30 =	simm.s32 $0xA680  }
0x5: {  	s31 =	simm.s32 $0xC680;
	[smem:$0x7FF] =	sst s2;
	s4 =	sshll.u32 s5, $0x1  }
0x6: {  	s3 =	sand.u32 $0x1, s3;
	s5 =	sshrl.u32 s5, $0x1;
	s8 =	sadd.s32 $0x1400, s0  }
0x7: {  	v0 =	vimm.s32 $0x80000000;
	s10 =	sadd.s32 $0x800, s0;
	_ =	strace $0x80000047;
	s9 =	smul.u32 $0xC00, s5  }
0x8: {  	s4 =	sand.u32 $0x2, s4;
	s23 =	sshll.u32 s5, $0xA;
	s16 =	smul.u32 $0x8C0000, s5;
	(xrf0) =	vmax.scan.msk.u32 $0xffff, v0  }
0x9: {  	s20 =	sshll.u32 s5, $0x10;
	s6 =	sor.u32 s3, s4;
	s3 =	ssub.s32 $0x2, s3  }
0xa: {  	s5 =	sshll.u32 s5, $0x6;
	s7 =	sshll.u32 s6, $0x8;
	s24 =	sshrl.u32 s3, $0x1  }
0xb: {  	s26 =	sadd.s32 $0x400, s9;
	s13 =	sadd.s32 s8, s9;
	s6 =	sshll.u32 s6, $0xF  }
0xc: {  	s4 =	sor.u32 s23, s7;
	s12 =	sor.u32 s9, s7;
	[dreg:$0x3] =	wrdreg s13  }
0xd: {  	s14 =	sor.u32 s26, s7;
	s9 =	sadd.s32 $0x800, s9;
	s4 =	sshrl.u32 s4, $0x3  }
0xe: {  	s25 =	sshrl.u32 s12, $0x3;
	s12 =	sadd.s32 s8, s26;
	s15 =	sor.u32 s9, s7;
	v0, _, _ =	vpop (xrf0)  }
0xf: {  	s8 =	sadd.s32 s8, s9;
	s7 =	sadd.s32 s1, s20;
	[dreg:$0x5] =	wrdreg s12;
	(v2sf) =	vpush v0, $0xF  }
0x10: {  	s11 =	sadd.s32 s4, s0;
	s4 =	sadd.s32 $0x7400, s0;
	[dreg:$0x7] =	wrdreg s8  }
0x11: {  	s0 =	ssub.s32 s3, s24;
	s3 =	sadd.s32 s10, s25;
	[dreg:$0xa] =	wrdreg s7  }
0x12: {  	s18 =	sor.u32 s16, s6;
	s7 =	sadd.s32 $0x400, s7;
	[dreg:$0x4] =	wrdreg s3  }
0x13: {  	s21 =	sshrl.u32 s18, $0x3;
	s17 =	sadd.s32 $0x400, s11;
	[dreg:$0xc] =	wrdreg s7  }
0x14: {  	s6 =	simm.s32 $0x2;
	s8 =	sadd.s32 s4, s21;
	[dreg:$0x9] =	wrdreg s17  }
0x15: {  	s3 =	sshrl.u32 s14, $0x3;
	s0 =	smax.u32 s0, $0x1;
	[dreg:$0xb] =	wrdreg s8  }
0x16: {  	s20 =	sor.u32 $0x8, s5;
	s3 =	sadd.s32 s10, s3;
	[dreg:$0x12] =	wrdreg s0  }
0x17: {  	s9 =	simm.s32 $0x4;
	s22 =	sadd.s32 $0xC000, s8;
	[dreg:$0x6] =	wrdreg s3  }
0x18: {  	s21 =	sadd.s32 $0xC0000, s18;
	s23 =	sadd.s32 $0x4000, s8;
	[dreg:$0xd] =	wrdreg s22  }
0x19: {  	s7 =	simm.s32 $0x14680;
	s24 =	sadd.s32 $0x10000, s8;
	[dreg:$0xe] =	wrdreg s23  }
0x1a: {  	s25 =	sadd.s32 $0x8000, s8;
	s26 =	sadd.s32 $0x14000, s8;
	[dreg:$0xf] =	wrdreg s24  }
0x1b: {  	s0 =	simm.s32 $0x6300;
	s3 =	sshrl.u32 s15, $0x3;
	[dreg:$0x10] =	wrdreg s25  }
0x1c: {  	[dreg:$0x11] =	wrdreg s26;
	s22 =	sor.u32 $0x9, s5;
	s23 =	sadd.s32 $0xE0000, s18  }
0x1d: {  	s25 =	simm.s32 $0x5;
	s26 =	simm.s32 $0x6000;
	s5 =	simm.s32 $0x1  }
0x1e: {  	s3 =	sadd.s32 s10, s3;
	s10 =	simm.s32 $0x0;
	s19 =	spop (v2sf)  }
0x1f: {  	v1 =	vlaneseq.u32;
	v0 =	vimm.s32 $0x1;
	[dreg:$0x8] =	wrdreg s3;
	s3 =	simm.s32 $0x8500;
	p0 =	sgt.u32 s19, $0x8000001F  }
.LBB2_1:
0x20: {  	s8 =	rddreg [dreg:$0x3]  }
0x21: {  	[tilespmem:s2], [sflag:$0x5] =	stream.linear.gather [hbm4b:s8+s2], $0x2000, $0x38;
	[tilespmem:$0x1C680] =	vst v63  }
0x22: {  	_ =	swait.ge [sflag:s25], $0x2000  }
0x23: {  	[sflag:s25] =	ssyncset.done $0x0  }
0x24: {  	s12 =	rddreg [dreg:$0x4];
	[sflag:s25] =	ssyncadd.s32 $0xFFFFE000  }
0x25: {  	[tilespmem:s26], [sflag:$0x5] =	stream.linear.gather [hbm4b:s12+s2], $0x100, $0x38;
	[tilespmem:$0x1C680] =	vst v63  }
0x26: {  	_ =	swait.ge [sflag:s25], $0x100  }
0x27: {  	[sflag:s25] =	ssyncset.done $0x0  }
0x28: {  	s11 =	simm.s32 $0x2000;
	s13 =	rddreg [dreg:$0x5];
	[sflag:s25] =	ssyncadd.s32 $0xFFFFFF00  }
0x29: {  	[tilespmem:s11], [sflag:$0x5] =	stream.linear.gather [hbm4b:s13+s2], $0x2000, $0x38;
	[tilespmem:$0x1C680] =	vst v63  }
0x2a: {  	_ =	swait.ge [sflag:s25], $0x2000  }
0x2b: {  	[sflag:s25] =	ssyncset.done $0x0  }
0x2c: {  	s15 =	simm.s32 $0x6100;
	s14 =	rddreg [dreg:$0x6];
	[sflag:s25] =	ssyncadd.s32 $0xFFFFE000  }
0x2d: {  	[tilespmem:s15], [sflag:$0x5] =	stream.linear.gather [hbm4b:s14+s2], $0x100, $0x38;
	[tilespmem:$0x1C680] =	vst v63  }
0x2e: {  	_ =	swait.ge [sflag:s25], $0x100  }
0x2f: {  	[sflag:s25] =	ssyncset.done $0x0  }
0x30: {  	s17 =	simm.s32 $0x4000;
	s16 =	rddreg [dreg:$0x7];
	[sflag:s25] =	ssyncadd.s32 $0xFFFFFF00  }
0x31: {  	[tilespmem:s17], [sflag:$0x5] =	stream.linear.gather [hbm4b:s16+s2], $0x2000, $0x38;
	[tilespmem:$0x1C680] =	vst v63  }
0x32: {  	_ =	swait.ge [sflag:s25], $0x2000  }
0x33: {  	[sflag:s25] =	ssyncset.done $0x0  }
0x34: {  	s19 =	simm.s32 $0x6200;
	s18 =	rddreg [dreg:$0x8];
	[sflag:s25] =	ssyncadd.s32 $0xFFFFE000  }
0x35: {  	[tilespmem:s19], [sflag:$0x5] =	stream.linear.gather [hbm4b:s18+s2], $0x100, $0x38;
	[tilespmem:$0x1C680] =	vst v63  }
0x36: {  	_ =	swait.ge [sflag:s25], $0x100  }
0x37: {  	[sflag:s25] =	ssyncset.done $0x0  }
.Ltmp0:
0x38: {  	s24 =	rddreg [dreg:$0x9];
	[sflag:s25] =	ssyncadd.s32 $0xFFFFFF00;
	(pc) =	sbr.rel .LBB2_2-.Ltmp0, $4  }
0x39: {  	[tilespmem:s0], [sflag:$0x5] =	stream.linear.gather [hbm4b:s24+s2], $0x100, $0x38;
	[tilespmem:$0x1C680] =	vst v63  }
0x3a: {  	_ =	swait.ge [sflag:s25], $0x100  }
0x3b: {  	[sflag:s25] =	ssyncset.done $0x0  }
0x3c: {  	s11 =	simm.s32 $0x0;
	[sflag:s25] =	ssyncadd.s32 $0xFFFFFF00  }
.LBB2_5:
0x3d: {  	v2 =	vpsel p1, v2, v2  }
.LBB2_6:
0x3e: {  	_ =	sdelay $0x1  }
0x3f: {  	s14 =	smul.u32 $0x21, s11;
	_ =	sdelay $0x1  }
0x40: {  	v3 =	vld.idx.msk [tilespmem:v3+s0+$0x0], $0xffff;
	v4 =	vmov s14;
	_ =	sdelay $0x4  }
0x41: {  	v5 =	vld.msk [tilespmem:s3+$0x0], $0xffff;
	[tilespmem:v4+s28+$0x0] =	vst.idx.msk $0x1, v3  }
0x42: {  	v62 =	vadd.s32 $0x1, v1;
	v3 =	vld [tilespmem:$0x8500]  }
0x43: {  	v4 =	vadd.s32 s14, v62;
	_ =	sdelay $0x1  }
0x44: {  	vm0 =	vgt.s32 v2, $0x0  }
0x45: {  	vm14 =	vgt.s32 v2, v1;
	v5 =	vnsel vm0, $0x0, v5  }
0x46: {  	v3 =	vsel vm14, v3, v5  }
0x47: {  	[tilespmem:v4+s28+$0x0] =	vst.idx.msk $0xffff, v3  }
0x48: {  	v63 =	vadd.s32 $0x11, v1;
	s11 =	sadd.s32 $0x1, s11;
	v3 =	vld [tilespmem:$0x8510]  }
0x49: {  	p1 =	sne.s32 s11, $0x100;
	v4 =	vadd.s32 s14, v63  }
.Ltmp1:
0x4a: {  	_ = 	snop;
	(pc) =	sbr.rel @!p1 .LBB2_7-.Ltmp1, $4  }
0x4b: {  	v6 =	vor.u32 $0x10, v1  }
0x4c: {  	vm15 =	vgt.s32 v2, v6  }
0x4d: {  	v2 =	vsel vm15, v3, v5  }
0x4e: {  	[tilespmem:v4+s28+$0x0] =	vst.idx.msk $0xffff, v2  }
.LBB2_2:
.Ltmp2:
0x4f: {  	(pc) =	sbr.rel @p0 .LBB2_6-.Ltmp2, $2  }
0x50: {  	_ =	sdelay $0x2  }
0x51: {  	v3 =	vmov s11;
	v2 =	vimm.s32 $0x0  }
0x52: {  	v5 =	vor.u32 $0x100, v3  }
0x53: {  	v6 =	vor.u32 $0x200, v3;
	_ =	sdelay $0x2  }
0x54: {  	v4 =	vld.idx.msk [tilespmem:v3+s26+$0x0], $0xffff  }
0x55: {  	v5 =	vld.idx.msk [tilespmem:v5+s26+$0x0], $0xffff  }
0x56: {  	s14 =	simm.s32 $0x0;
	s15 =	simm.s32 $0x0;
	v6 =	vld.idx.msk [tilespmem:v6+s26+$0x0], $0xffff  }
.LBB2_4:
0x57: {  	v7 =	vld [tilespmem:s14+$0x0]  }
0x58: {  	v8 =	vld [tilespmem:s14+$0x2000]  }
0x59: {  	v9 =	vld [tilespmem:s14+$0x10]  }
0x5a: {  	v10 =	vld [tilespmem:s14+$0x2010]  }
0x5b: {  	v11 =	vld [tilespmem:s14+$0x4000]  }
0x5c: {  	v12 =	vld [tilespmem:s14+$0x4010]  }
0x5d: {  	v14 =	vld [tilespmem:s14+$0x2020]  }
0x5e: {  	v15 =	vld [tilespmem:s14+$0x30]  }
0x5f: {  	v62 =	vld [tilespmem:s14+$0x40]  }
0x60: {  	v16 =	vld [tilespmem:s14+$0x2040]  }
0x61: {  	v17 =	vld [tilespmem:s14+$0x50]  }
0x62: {  	v19 =	vld [tilespmem:s14+$0x4040]  }
0x63: {  	v29 =	vld [tilespmem:s14+$0x60];
	v7 =	vsub.f32 v7, v4  }
0x64: {  	v31 =	vld [tilespmem:s14+$0x2060];
	v8 =	vsub.f32 v8, v5;
	v9 =	vsub.f32 v9, v4  }
0x65: {  	v32 =	vld [tilespmem:s14+$0x70];
	v10 =	vsub.f32 v10, v5;
	v11 =	vsub.f32 v11, v6  }
0x66: {  	v35 =	vld [tilespmem:s14+$0x2070];
	v12 =	vsub.f32 v12, v6;
	v59 =	vsub.f32 v14, v5  }
0x67: {  	v41 =	vld [tilespmem:s14+$0x80];
	v61 =	vsub.f32 v15, v4;
	v25 =	vsub.f32 v62, v4  }
0x68: {  	v54 =	vld [tilespmem:s14+$0xB0];
	v26 =	vsub.f32 v16, v5;
	v28 =	vsub.f32 v17, v4  }
0x69: {  	v58 =	vld [tilespmem:s14+$0x4020];
	v30 =	vsub.f32 v19, v6;
	v39 =	vsub.f32 v29, v4  }
0x6a: {  	v40 =	vsub.f32 v31, v5;
	v19 =	vsub.f32 v32, v4;
	v7 =	vmul.f32 v7, v7  }
0x6b: {  	v56 =	vld [tilespmem:s14+$0x2030];
	v17 =	vsub.f32 v35, v5;
	v8 =	vmul.f32 v8, v8;
	v9 =	vmul.f32 v9, v9  }
0x6c: {  	v22 =	vld [tilespmem:s14+$0x2050];
	v16 =	vsub.f32 v41, v4;
	v10 =	vmul.f32 v10, v10;
	v57 =	vmul.f32 v12, v12  }
0x6d: {  	v46 =	vld [tilespmem:s14+$0x4090];
	v29 =	vsub.f32 v54, v4;
	v14 =	vmul.f32 v61, v61;
	v15 =	vmul.f32 v28, v28  }
0x6e: {  	v12 =	vsub.f32 v58, v6;
	v34 =	vmul.f32 v30, v30;
	v44 =	vmul.f32 v39, v39  }
0x6f: {  	v19 =	vmul.f32 v19, v19;
	v17 =	vmul.f32 v17, v17;
	v7 =	vadd.f32 v8, v7  }
0x70: {  	v13 =	vld [tilespmem:s14+$0x20];
	v8 =	vmul.f32 v11, v11;
	v9 =	vadd.f32 v10, v9;
	v11 =	vsub.f32 v56, v5  }
0x71: {  	v38 =	vld [tilespmem:s14+$0x4070];
	v21 =	vmul.f32 v12, v12;
	v12 =	vsub.f32 v22, v5;
	v17 =	vadd.f32 v17, v19  }
0x72: {  	v16 =	vmul.f32 v16, v16;
	v22 =	vld [tilespmem:s14+$0x90];
	v19 =	vsub.f32 v46, v6;
	v7 =	vadd.f32 v8, v7  }
0x73: {  	v10 =	vmul.f32 v59, v59;
	v56 =	vld [tilespmem:s14+$0x20B0];
	v9 =	vadd.f32 v57, v9;
	v11 =	vmul.f32 v11, v11  }
0x74: {  	v8 =	vld [tilespmem:s14+$0x4030];
	v12 =	vmul.f32 v12, v12;
	v58 =	vmul.f32 v19, v19;
	vm0 =	vlt.f32 v7, $3.999999910e-02  }
0x75: {  	v24 =	vld [tilespmem:s14+$0x4050];
	v7 =	vsub.f32 v13, v4;
	vm1 =	vlt.f32 v9, $3.999999910e-02;
	v11 =	vadd.f32 v11, v14  }
0x76: {  	v13 =	vmul.f32 v26, v26;
	v12 =	vadd.f32 v12, v15;
	v15 =	vmul.f32 v40, v40  }
0x77: {  	v14 =	vsub.f32 v38, v6;
	v60 =	vmpcnt.ones.xlane vm0;
	v18 =	vmpcnt.ones.xlane vm1  }
0x78: {  	v37 =	vld [tilespmem:s14+$0x4060];
	v50 =	vsub.f32 v22, v4;
	v30 =	vsub.f32 v56, v5;
	v7 =	vmul.f32 v7, v7  }
0x79: {  	v31 =	vld [tilespmem:s14+$0xD0];
	v15 =	vadd.f32 v15, v44;
	v14 =	vmul.f32 v14, v14;
	v8 =	vsub.f32 v8, v6  }
0x7a: {  	v22 =	vmul.f32 v30, v30;
	v63 =	vadd.f32 v10, v7;
	v10 =	vsub.f32 v24, v6;
	v24 =	vld [tilespmem:s14+$0xA0]  }
0x7b: {  	v7 =	vadd.s32 v2, v60;
	v14 =	vadd.f32 v14, v17;
	v60 =	vld [tilespmem:s14+$0x40B0];
	v23 =	vmul.f32 v8, v8  }
0x7c: {  	v43 =	vld [tilespmem:s14+$0x2080];
	v8 =	vadd.s32 v7, v18;
	v18 =	vmul.f32 v50, v50;
	v9 =	vadd.f32 v21, v63  }
0x7d: {  	v53 =	vld [tilespmem:s14+$0x40A0];
	v36 =	vmul.f32 v10, v10;
	vm7 =	vlt.f32 v14, $3.999999910e-02;
	v11 =	vadd.f32 v23, v11  }
0x7e: {  	v21 =	vld [tilespmem:s14+$0x4080];
	v61 =	vmpcnt.ones.xlane vm7;
	vm2 =	vlt.f32 v9, $3.999999910e-02;
	v9 =	vmul.f32 v25, v25  }
0x7f: {  	v40 =	vld [tilespmem:s14+$0x40E0];
	v12 =	vadd.f32 v36, v12;
	v27 =	vmpcnt.ones.xlane vm2;
	v55 =	vsub.f32 v24, v4  }
0x80: {  	v62 =	vld [tilespmem:s14+$0xC0];
	vm3 =	vlt.f32 v11, $3.999999910e-02;
	v35 =	vsub.f32 v60, v6;
	v24 =	vsub.f32 v31, v4  }
0x81: {  	v23 =	vld [tilespmem:s14+$0x2090];
	v33 =	vadd.f32 v13, v9;
	v20 =	vmpcnt.ones.xlane vm3;
	vm5 =	vlt.f32 v12, $3.999999910e-02  }
0x82: {  	v25 =	vld [tilespmem:s14+$0x40C0];
	v13 =	vsub.f32 v37, v6;
	v9 =	vadd.s32 v8, v27;
	v45 =	vmpcnt.ones.xlane vm5  }
0x83: {  	v49 =	vsub.f32 v21, v6;
	v59 =	vmul.f32 v55, v55;
	v21 =	vsub.f32 v53, v6  }
0x84: {  	v47 =	vld [tilespmem:s14+$0x20A0];
	v39 =	vmul.f32 v24, v24;
	v24 =	vsub.f32 v40, v6;
	v11 =	vadd.f32 v34, v33  }
0x85: {  	v37 =	vld [tilespmem:s14+$0xE0];
	v10 =	vadd.s32 v9, v20;
	v13 =	vmul.f32 v13, v13;
	v20 =	vsub.f32 v43, v5  }
0x86: {  	v52 =	vsub.f32 v23, v5;
	v23 =	vsub.f32 v62, v4;
	v28 =	vmul.f32 v21, v21  }
0x87: {  	v27 =	vld [tilespmem:s14+$0x20E0];
	v21 =	vmul.f32 v29, v29;
	v25 =	vsub.f32 v25, v6;
	vm4 =	vlt.f32 v11, $3.999999910e-02  }
0x88: {  	v13 =	vadd.f32 v13, v15;
	v48 =	vmul.f32 v20, v20;
	v17 =	vmul.f32 v52, v52  }
0x89: {  	v26 =	vld [tilespmem:s14+$0x40D0];
	v15 =	vsub.f32 v47, v5;
	v23 =	vmul.f32 v23, v23;
	v42 =	vmpcnt.ones.xlane vm4  }
0x8a: {  	v63 =	vld [tilespmem:s14+$0x20C0];
	v36 =	vadd.f32 v22, v21;
	v43 =	vmul.f32 v25, v25;
	v21 =	vsub.f32 v37, v4  }
0x8b: {  	v29 =	vld [tilespmem:s14+$0x20F0];
	vm6 =	vlt.f32 v13, $3.999999910e-02;
	v16 =	vadd.f32 v48, v16;
	v13 =	vmul.f32 v49, v49  }
0x8c: {  	v17 =	vadd.f32 v17, v18;
	v15 =	vmul.f32 v15, v15;
	v44 =	vsub.f32 v27, v5  }
0x8d: {  	v33 =	vld [tilespmem:s14+$0x20D0];
	v49 =	vmul.f32 v24, v24;
	v11 =	vadd.s32 v10, v42;
	v51 =	vmpcnt.ones.xlane vm6  }
0x8e: {  	v42 =	vsub.f32 v26, v6;
	v21 =	vmul.f32 v21, v21;
	v57 =	vadd.f32 v13, v16  }
0x8f: {  	v12 =	vadd.s32 v11, v45;
	v16 =	vadd.f32 v58, v17;
	v15 =	vadd.f32 v15, v59  }
0x90: {  	v41 =	vld [tilespmem:s14+$0x40F0];
	v17 =	vsub.f32 v63, v5;
	v46 =	vsub.f32 v29, v5;
	v25 =	vmul.f32 v44, v44  }
0x91: {  	v13 =	vadd.s32 v12, v51;
	vm8 =	vlt.f32 v57, $3.999999910e-02;
	v18 =	vadd.f32 v28, v15;
	v28 =	vld [tilespmem:s14+$0xF0]  }
0x92: {  	v14 =	vadd.s32 v13, v61;
	vm9 =	vlt.f32 v16, $3.999999910e-02;
	v16 =	vsub.f32 v33, v5  }
0x93: {  	(xrf0) =	vadd.scan.msk.s32 vm0, v0;
	v17 =	vmul.f32 v17, v17;
	v27 =	vmul.f32 v46, v46;
	v48 =	vadd.f32 v25, v21  }
0x94: {  	(xrf0) =	vadd.scan.msk.s32 vm1, v0;
	v32 =	vmpcnt.ones.xlane vm8;
	vm10 =	vlt.f32 v18, $3.999999910e-02;
	v18 =	vmul.f32 v35, v35  }
0x95: {  	(xrf0) =	vadd.scan.msk.s32 vm2, v0;
	v16 =	vmul.f32 v16, v16;
	v17 =	vadd.f32 v17, v23;
	v23 =	vsub.f32 v41, v6  }
0x96: {  	(xrf0) =	vadd.scan.msk.s32 vm3, v0;
	v34 =	vmpcnt.ones.xlane vm9;
	v18 =	vadd.f32 v18, v36;
	v45 =	vsub.f32 v28, v4  }
0x97: {  	(xrf0) =	vadd.scan.msk.s32 vm4, v0;
	v54 =	vadd.f32 v49, v48;
	v15 =	vadd.s32 v14, v32;
	v16 =	vadd.f32 v16, v39  }
0x98: {  	(xrf0) =	vadd.scan.msk.s32 vm5, v0;
	vm11 =	vlt.f32 v18, $3.999999910e-02;
	v18 =	vmul.f32 v42, v42;
	v26 =	vmul.f32 v45, v45  }
0x99: {  	v47, _, _ =	vpop (xrf0);
	(xrf0) =	vadd.scan.msk.s32 vm6, v0;
	v38 =	vmpcnt.ones.xlane vm10;
	v20 =	vadd.s32 v15, v34;
	v17 =	vadd.f32 v43, v17  }
0x9a: {  	v50, _, _ =	vpop (xrf0);
	(xrf0) =	vadd.scan.msk.s32 vm7, v0;
	v23 =	vmul.f32 v23, v23;
	v16 =	vadd.f32 v18, v16;
	v51 =	vadd.f32 v27, v26  }
0x9b: {  	v52, _, _ =	vpop (xrf0);
	(xrf0) =	vadd.scan.msk.s32 vm8, v0;
	v22 =	vadd.s32 v20, v38;
	vm13 =	vlt.f32 v17, $3.999999910e-02;
	v53 =	vmpcnt.ones.xlane vm11  }
0x9c: {  	v55, _, _ =	vpop (xrf0);
	(xrf0) =	vadd.scan.msk.s32 vm9, v0;
	v56 =	vmpcnt.ones.xlane vm13;
	vm12 =	vlt.f32 v16, $3.999999910e-02;
	v57 =	vadd.f32 v23, v51  }
0x9d: {  	v58, _, _ =	vpop (xrf0);
	(xrf0) =	vadd.scan.msk.s32 vm10, v0;
	vm14 =	vlt.f32 v54, $3.999999910e-02;
	v59 =	vadd.s32 v22, v53;
	v60 =	vmpcnt.ones.xlane vm12  }
0x9e: {  	v61, _, _ =	vpop (xrf0);
	v62 =	vmpcnt.ones.xlane vm14;
	(xrf0) =	vadd.scan.msk.s32 vm11, v0;
	v21 =	vadd.s32 v59, v56;
	vm15 =	vlt.f32 v57, $3.999999910e-02  }
0x9f: {  	v63, _, _ =	vpop (xrf0);
	(xrf0) =	vadd.scan.msk.s32 vm13, v0;
	v26 =	vadd.s32 v21, v60;
	v39 =	vmpcnt.ones.xlane vm15  }
0xa0: {  	v30, _, _ =	vpop (xrf0);
	(xrf0) =	vadd.scan.msk.s32 vm12, v0;
	v27 =	vadd.s32 v26, v62  }
0xa1: {  	v28 =	vadd.s32 v47, v2;
	v31, _, _ =	vpop (xrf0);
	(xrf0) =	vadd.scan.msk.s32 vm14, v0;
	v2 =	vadd.s32 v27, v39  }
0xa2: {  	v40, _, _ =	vpop (xrf0);
	(xrf0) =	vadd.scan.msk.s32 vm15, v0;
	v32 =	vxor.u32 $0x80000000, v2  }
0xa3: {  	v33, _, _ =	vpop (xrf0);
	(xrf0) =	vmax.scan.msk.u32 $0xffff, v32  }
0xa4: {  	v41, _, _ =	vpop (xrf0)  }
0xa5: {  	v34, _, _ =	vpop (xrf0)  }
0xa6: {  	v35, _, _ =	vpop (xrf0)  }
0xa7: {  	v36, _, _ =	vpop (xrf0)  }
0xa8: {  	v37, _, _ =	vpop (xrf0)  }
0xa9: {  	v43, _, _ =	vpop (xrf0)  }
0xaa: {  	(v2sf) =	vpush v43, $0xF  }
0xab: {  	v8 =	vadd.s32 v52, v8  }
0xac: {  	v7 =	vadd.s32 v50, v7;
	v8 =	vadd.s32 $0xFFFFFFFF, v8  }
0xad: {  	v7 =	vadd.s32 $0xFFFFFFFF, v7;
	v9 =	vadd.s32 v55, v9  }
0xae: {  	v9 =	vadd.s32 $0xFFFFFFFF, v9;
	v10 =	vadd.s32 v58, v10  }
0xaf: {  	s8 =	sadd.s32 $0x20, s15;
	v10 =	vadd.s32 $0xFFFFFFFF, v10;
	v12 =	vadd.s32 v63, v12  }
0xb0: {  	s16 =	sadd.s32 $0x10, s15;
	v44 =	vor.u32 s15, v1;
	v46 =	vor.u32 s8, v1;
	v12 =	vadd.s32 $0xFFFFFFFF, v12  }
0xb1: {  	s12 =	sadd.s32 $0x30, s15;
	v11 =	vadd.s32 v61, v11;
	[tilespmem:v8+s3+$0x0] =	vst.idx.msk vm2, v46;
	v42 =	vadd.s32 $0xFFFFFFFF, v28;
	v45 =	vor.u32 s16, v1  }
0xb2: {  	s13 =	sadd.s32 $0x40, s15;
	v11 =	vadd.s32 $0xFFFFFFFF, v11;
	v47 =	vor.u32 s12, v1;
	[tilespmem:v7+s3+$0x0] =	vst.idx.msk vm1, v45;
	v7 =	vadd.s32 v30, v13  }
0xb3: {  	s18 =	sadd.s32 $0x60, s15;
	v49 =	vor.u32 s13, v1;
	[tilespmem:v9+s3+$0x0] =	vst.idx.msk vm3, v47;
	v8 =	vadd.s32 v31, v14;
	v7 =	vadd.s32 $0xFFFFFFFF, v7  }
0xb4: {  	s19 =	sadd.s32 $0x70, s15;
	[tilespmem:v10+s3+$0x0] =	vst.idx.msk vm4, v49;
	v48 =	vadd.s32 v40, v15;
	v8 =	vadd.s32 $0xFFFFFFFF, v8;
	v53 =	vor.u32 s18, v1  }
0xb5: {  	s17 =	sadd.s32 $0x50, s15;
	v55 =	vor.u32 s19, v1;
	v50 =	vadd.s32 v33, v20;
	v9 =	vadd.s32 $0xFFFFFFFF, v48;
	[tilespmem:v12+s3+$0x0] =	vst.idx.msk vm6, v53  }
0xb6: {  	s24 =	sadd.s32 $0x80, s15;
	[tilespmem:v42+s3+$0x0] =	vst.idx.msk vm0, v44;
	v51 =	vor.u32 s17, v1;
	v10 =	vadd.s32 $0xFFFFFFFF, v50;
	v52 =	vadd.s32 v41, v22  }
0xb7: {  	v56 =	vor.u32 s24, v1;
	s17 =	sadd.s32 $0xC0, s15;
	[tilespmem:v11+s3+$0x0] =	vst.idx.msk vm5, v51;
	v54 =	vadd.s32 v34, v59;
	v11 =	vadd.s32 $0xFFFFFFFF, v52  }
0xb8: {  	s8 =	sadd.s32 $0x90, s15;
	v61 =	vor.u32 s17, v1;
	[tilespmem:v7+s3+$0x0] =	vst.idx.msk vm7, v55;
	v12 =	vadd.s32 $0xFFFFFFFF, v54;
	v7 =	vadd.s32 v35, v21  }
0xb9: {  	p1 =	sgt.u32 s15, $0x1EFF;
	s12 =	sadd.s32 $0xA0, s15;
	v57 =	vor.u32 s8, v1;
	[tilespmem:v8+s3+$0x0] =	vst.idx.msk vm8, v56;
	v8 =	vadd.s32 v36, v26;
	v7 =	vadd.s32 $0xFFFFFFFF, v7;
	s17 =	spop (v2sf)  }
0xba: {  	s13 =	sadd.s32 $0xB0, s15;
	[tilespmem:v9+s3+$0x0] =	vst.idx.msk vm9, v57;
	v59 =	vor.u32 s12, v1;
	v8 =	vadd.s32 $0xFFFFFFFF, v8;
	v58 =	vadd.s32 v37, v27;
	p2 =	slt.u32 @!p1 s17, $0x80000020  }
0xbb: {  	v60 =	vor.u32 s13, v1;
	[tilespmem:v10+s3+$0x0] =	vst.idx.msk vm10, v59;
	v9 =	vadd.s32 $0xFFFFFFFF, v58;
	p2 =	por p1, !p2  }
.Ltmp3:
0xbc: {  	s18 =	sadd.s32 $0xD0, s15;
	[tilespmem:v11+s3+$0x0] =	vst.idx.msk vm11, v60;
	(pc) =	sbr.rel @!p2 .LBB2_4-.Ltmp3, $4  }
0xbd: {  	s19 =	sadd.s32 $0xE0, s15;
	v62 =	vor.u32 s18, v1;
	[tilespmem:v12+s3+$0x0] =	vst.idx.msk vm13, v61  }
0xbe: {  	v63 =	vor.u32 s19, v1;
	s24 =	sadd.s32 $0xF0, s15;
	[tilespmem:v7+s3+$0x0] =	vst.idx.msk vm12, v62  }
0xbf: {  	v7 =	vor.u32 s24, v1;
	[tilespmem:v8+s3+$0x0] =	vst.idx.msk vm14, v63  }
0xc0: {  	s14 =	sadd.s32 $0x100, s14;
	s15 =	sadd.s32 $0x100, s15;
	[tilespmem:v9+s3+$0x0] =	vst.idx.msk vm15, v7  }
.Ltmp4:
0xc1: {  	_ = 	snop;
	(pc) =	sbr.rel .LBB2_5-.Ltmp4, $1  }
0xc2: {  	_ =	sdelay $0x3  }
.LBB2_7:
0xc3: {  	s14 =	simm.s32 $0x20  }
0xc4: {  	s17 =	simm.s32 $0x60;
	v3 =	vor.u32 s14, v1  }
0xc5: {  	s8 =	rddreg [dreg:$0xa];
	s16 =	simm.s32 $0x30;
	v7 =	vor.u32 s17, v1;
	v2 =	vmulhi.u32 $0x3E0F83E1, v3  }
0xc6: {  	s11 =	simm.s32 $0x0;
	s15 =	rddreg [dreg:$0xc];
	s24 =	simm.s32 $0x70;
	v6 =	vor.u32 s16, v1;
	v10 =	vmulhi.u32 $0x3E0F83E1, v7  }
0xc7: {  	[tilespmem:s29], [sflag:$0x1] =	stream.linear.gather [hbm4b:s8+s11], $0x2000, $0x38;
	v12 =	vor.u32 s24, v1;
	v13 =	vmulhi.u32 $0x3E0F83E1, v6;
	[tilespmem:$0x1C680] =	vst v63  }
0xc8: {  	s18 =	simm.s32 $0x40;
	s19 =	simm.s32 $0x6440;
	s16 =	simm.s32 $0x50;
	v15 =	vor.u32 s11, v1;
	v17 =	vmulhi.u32 $0x3E0F83E1, v12  }
0xc9: {  	v9 =	vor.u32 s16, v1;
	v31 =	vmulhi.u32 $0x3E0F83E1, v15;
	[tilespmem:s30], [sflag:$0x2] =	stream.linear.gather [hbm4b:s15+s11], $0x2000, $0x38;
	[tilespmem:$0x1C680] =	vst v63  }
0xca: {  	v8 =	vor.u32 s18, v1;
	s15 =	simm.s32 $0x10;
	v24 =	vmulhi.u32 $0x3E0F83E1, v9;
	v11 =	vld [tilespmem:s19+$0x10]  }
0xcb: {  	v4 =	vor.u32 s15, v1;
	v14 =	vld [tilespmem:s19+$0xFFFFFFE0];
	v19 =	vshrl.u32 v2, $0x3;
	v13 =	vshrl.u32 v13, $0x3  }
0xcc: {  	v18 =	vld [tilespmem:s19+$0xFFFFFFF0];
	v2 =	vmulhi.u32 $0x3E0F83E1, v8;
	v17 =	vshrl.u32 v17, $0x3;
	v57 =	vshrl.u32 v10, $0x3  }
0xcd: {  	v20 =	vld [tilespmem:s19+$0x30];
	v31 =	vshrl.u32 v31, $0x3;
	v5 =	vmulhi.u32 $0x3E0F83E1, v4;
	v21 =	vshll.u32 v19, $0x7  }
0xce: {  	v23 =	vld [tilespmem:s19+$0x0];
	v22 =	vshll.u32 v13, $0x7;
	v28 =	vmul.u32 $0xFFFFFFDF, v19;
	v24 =	vshrl.u32 v24, $0x3  }
0xcf: {  	v26 =	vld [tilespmem:s19+$0xFFFFFFD0];
	v33 =	vshll.u32 v17, $0x7;
	v34 =	vshll.u32 v57, $0x7;
	v59 =	vshll.u32 v31, $0x7  }
0xd0: {  	v30 =	vld [tilespmem:s19+$0xFFFFFFC0];
	v36 =	vmul.u32 $0xFFFFFFDF, v31;
	v25 =	vshrl.u32 v2, $0x3;
	v2 =	vmul.u32 $0xFFFFFFDF, v17  }
0xd1: {  	v32 =	vld [tilespmem:s19+$0x20];
	v35 =	vshll.u32 v24, $0x7;
	v38 =	vmul.u32 $0xFFFFFFDF, v24;
	v5 =	vshrl.u32 v5, $0x3  }
0xd2: {  	v29 =	vmul.u32 $0xFFFFFFDF, v25;
	v58 =	vshll.u32 v25, $0x7;
	v15 =	vadd.s32 v15, v36;
	v19 =	vld.idx.msk [tilespmem:v19+s26+$0x0], $0xffff  }
0xd3: {  	v16 =	vshll.u32 v5, $0x7;
	v27 =	vmul.u32 $0xFFFFFFDF, v5;
	v12 =	vadd.s32 v12, v2;
	v17 =	vld.idx.msk [tilespmem:v17+s26+$0x0], $0xffff  }
0xd4: {  	v9 =	vadd.s32 v9, v38;
	v63 =	vand.u32 $0xFFFFFF80, v15;
	v8 =	vadd.s32 v8, v29;
	v37 =	vld.idx.msk [tilespmem:v13+s26+$0x0], $0xffff  }
0xd5: {  	v13 =	vmul.u32 $0xFFFFFFDF, v13;
	v10 =	vand.u32 $0xFFFFFF80, v8;
	v8 =	vand.u32 $0x7F, v8;
	v14 =	vld.idx.msk [tilespmem:v14+s2+$0x0], $0xffff  }
0xd6: {  	v27 =	vadd.s32 v4, v27;
	v10 =	vadd.s32 v58, v10;
	v2 =	vld.idx.msk [tilespmem:v5+s26+$0x0], $0xffff;
	v5 =	vand.u32 $0xFFFFFF80, v12  }
0xd7: {  	v60 =	vld.idx.msk [tilespmem:v31+s26+$0x0], $0xffff;
	v39 =	vand.u32 $0x7F, v27;
	v12 =	vand.u32 $0x7F, v12;
	v5 =	vadd.s32 v33, v5  }
0xd8: {  	v27 =	vand.u32 $0xFFFFFF80, v27;
	v18 =	vld.idx.msk [tilespmem:v18+s2+$0x0], $0xffff;
	v12 =	vor.u32 v12, v5;
	v5 =	vmul.u32 $0xFFFFFFDF, v57  }
0xd9: {  	v6 =	vadd.s32 v6, v13;
	v30 =	vld.idx.msk [tilespmem:v30+s2+$0x0], $0xffff;
	v4 =	vor.u32 v8, v10;
	v8 =	vadd.s32 v3, v28  }
0xda: {  	v16 =	vadd.s32 v16, v27;
	v7 =	vadd.s32 v7, v5;
	v5 =	vsub.f32 v14, v19;
	v14 =	vld.idx.msk [tilespmem:v20+s2+$0x0], $0xffff  }
0xdb: {  	v25 =	vld.idx.msk [tilespmem:v25+s26+$0x0], $0xffff;
	v10 =	vand.u32 $0xFFFFFF80, v8;
	v62 =	vand.u32 $0x7F, v8;
	v8 =	vand.u32 $0x7F, v6  }
0xdc: {  	v3 =	vld.idx.msk [tilespmem:v11+s2+$0x0], $0xffff;
	v19 =	vand.u32 $0xFFFFFF80, v7;
	v61 =	vand.u32 $0x7F, v7;
	v7 =	vand.u32 $0xFFFFFF80, v6  }
0xdd: {  	v23 =	vld.idx.msk [tilespmem:v23+s2+$0x0], $0xffff;
	v16 =	vor.u32 v39, v16;
	v20 =	vadd.s32 v21, v10;
	v11 =	vadd.s32 v22, v7  }
0xde: {  	v10 =	vsub.f32 v18, v37;
	v18 =	vand.u32 $0xFFFFFF80, v9;
	v13 =	vor.u32 v8, v11;
	v11 =	vld.idx.msk [tilespmem:v26+s2+$0x0], $0xffff  }
0xdf: {  	v9 =	vand.u32 $0x7F, v9;
	v7 =	vsub.f32 v30, v60;
	v17 =	vsub.f32 v14, v17;
	v14 =	vld.idx.msk [tilespmem:v24+s26+$0x0], $0xffff  }
0xe0: {  	v8 =	vadd.s32 v34, v19;
	v19 =	vadd.s32 v35, v18;
	v18 =	vand.u32 $0x7F, v15  }
0xe1: {  	v6 =	vld.idx.msk [tilespmem:v57+s26+$0x0], $0xffff;
	v15 =	vor.u32 v62, v20;
	v8 =	vor.u32 v61, v8;
	v9 =	vor.u32 v9, v19  }
0xe2: {  	s14 =	simm.s32 $0x64C0;
	s11 =	simm.s32 $0x80;
	v19 =	vadd.s32 v59, v63;
	[tilespmem:v12+s31+$0x0] =	vst.idx.msk $0xffff, v17;
	v12 =	vld.idx.msk [tilespmem:v32+s2+$0x0], $0xffff;
	v17 =	vsub.f32 v23, v25  }
.LBB2_8:
0xe3: {  	s15 =	sadd.s32 $0x10, s11  }
0xe4: {  	s16 =	sadd.s32 $0x20, s11;
	s17 =	sadd.s32 $0x30, s11;
	v18 =	vor.u32 v18, v19;
	v2 =	vsub.f32 v11, v2;
	v3 =	vsub.f32 v3, v14;
	s18 =	smov.u32 s11  }
0xe5: {  	v11 =	vor.u32 s15, v1;
	v14 =	vor.u32 s16, v1;
	v19 =	vor.u32 s17, v1;
	s15 =	sadd.s32 $0x40, s11;
	s16 =	sadd.s32 $0x50, s11;
	s17 =	sadd.s32 $0x60, s11;
	[tilespmem:v13+s31+$0x0] =	vst.idx.msk $0xffff, v10  }
0xe6: {  	p1 =	slt.u32 s11, $0x2080;
	s11 =	sadd.s32 $0x80, s11;
	v10 =	vmulhi.u32 $0x3E0F83E1, v14;
	v13 =	vor.u32 s15, v1;
	v20 =	vld [tilespmem:s14+$0x10];
	v21 =	vor.u32 s16, v1;
	s15 =	sadd.s32 $0x70, s18;
	[tilespmem:v4+s31+$0x0] =	vst.idx.msk $0xffff, v17  }
0xe7: {  	v4 =	vmulhi.u32 $0x3E0F83E1, v11;
	v22 =	vor.u32 s17, v1;
	v17 =	vld [tilespmem:s14+$0xFFFFFFE0];
	v23 =	vor.u32 s15, v1;
	[tilespmem:v15+s31+$0x0] =	vst.idx.msk $0xffff, v5  }
0xe8: {  	v15 =	vmulhi.u32 $0x3E0F83E1, v22;
	v5 =	vld [tilespmem:s14+$0xFFFFFFF0];
	[tilespmem:v16+s31+$0x0] =	vst.idx.msk $0xffff, v2;
	v2 =	vsub.f32 v12, v6  }
0xe9: {  	v12 =	vor.u32 s18, v1;
	v4 =	vshrl.u32 v4, $0x3;
	v6 =	vmulhi.u32 $0x3E0F83E1, v19;
	v16 =	vld [tilespmem:s14+$0x30];
	[tilespmem:v18+s31+$0x0] =	vst.idx.msk $0xffff, v7  }
0xea: {  	v18 =	vshll.u32 v4, $0x7;
	v7 =	vshrl.u32 v10, $0x3;
	v10 =	vmulhi.u32 $0x3E0F83E1, v23;
	v24 =	vld [tilespmem:s14+$0x0];
	[tilespmem:v8+s31+$0x0] =	vst.idx.msk $0xffff, v2  }
0xeb: {  	v25 =	vshll.u32 v7, $0x7;
	v6 =	vshrl.u32 v6, $0x3;
	v2 =	vmulhi.u32 $0x3E0F83E1, v13;
	v8 =	vld [tilespmem:s14+$0xFFFFFFD0];
	[tilespmem:v9+s31+$0x0] =	vst.idx.msk $0xffff, v3  }
0xec: {  	v26 =	vshll.u32 v6, $0x7;
	v3 =	vmulhi.u32 $0x3E0F83E1, v21;
	v10 =	vshrl.u32 v10, $0x3;
	v9 =	vld [tilespmem:s14+$0xFFFFFFC0]  }
0xed: {  	v27 =	vmul.u32 $0xFFFFFFDF, v4;
	v28 =	vshrl.u32 v2, $0x3;
	v30 =	vmul.u32 $0xFFFFFFDF, v10;
	v29 =	vld [tilespmem:s14+$0x20]  }
0xee: {  	v31 =	vmul.u32 $0xFFFFFFDF, v7;
	v32 =	vshrl.u32 v3, $0x3;
	v2 =	vld.idx.msk [tilespmem:v4+s26+$0x0], $0xffff;
	v4 =	vmul.u32 $0xFFFFFFDF, v28  }
0xef: {  	v33 =	vmulhi.u32 $0x3E0F83E1, v12;
	v3 =	vld.idx.msk [tilespmem:v20+s2+$0x0], $0xffff;
	v20 =	vadd.s32 v23, v30;
	v23 =	vshll.u32 v10, $0x7  }
0xf0: {  	v7 =	vld.idx.msk [tilespmem:v7+s26+$0x0], $0xffff;
	v4 =	vadd.s32 v13, v4;
	v13 =	vshrl.u32 v15, $0x3;
	v15 =	vand.u32 $0xFFFFFF80, v20  }
0xf1: {  	v30 =	vld.idx.msk [tilespmem:v5+s2+$0x0], $0xffff;
	v5 =	vand.u32 $0xFFFFFF80, v4;
	v34 =	vshll.u32 v13, $0x7;
	v15 =	vadd.s32 v23, v15  }
0xf2: {  	v20 =	vand.u32 $0x7F, v20;
	v23 =	vshrl.u32 v33, $0x3;
	v33 =	vshll.u32 v28, $0x7;
	v17 =	vld.idx.msk [tilespmem:v17+s2+$0x0], $0xffff  }
0xf3: {  	v4 =	vand.u32 $0x7F, v4;
	v5 =	vadd.s32 v33, v5;
	v20 =	vor.u32 v20, v15;
	v33 =	vld.idx.msk [tilespmem:v10+s26+$0x0], $0xffff  }
0xf4: {  	v36 =	vmul.u32 $0xFFFFFFDF, v13;
	v35 =	vshll.u32 v23, $0x7;
	v15 =	vshll.u32 v32, $0x7;
	v10 =	vld.idx.msk [tilespmem:v6+s26+$0x0], $0xffff  }
0xf5: {  	v11 =	vadd.s32 v11, v27;
	v27 =	vmul.u32 $0xFFFFFFDF, v32;
	v37 =	vmul.u32 $0xFFFFFFDF, v23;
	v9 =	vld.idx.msk [tilespmem:v9+s2+$0x0], $0xffff  }
0xf6: {  	v39 =	vmul.u32 $0xFFFFFFDF, v6;
	v38 =	vand.u32 $0x7F, v11;
	v4 =	vor.u32 v4, v5;
	v6 =	vld.idx.msk [tilespmem:v13+s26+$0x0], $0xffff  }
0xf7: {  	v13 =	vld.idx.msk [tilespmem:v23+s26+$0x0], $0xffff;
	v23 =	vadd.s32 v12, v37;
	v12 =	vadd.s32 v14, v31;
	v14 =	vadd.s32 v22, v36  }
0xf8: {  	v22 =	vand.u32 $0xFFFFFF80, v11;
	v5 =	vsub.f32 v17, v7;
	v17 =	vadd.s32 v21, v27;
	v16 =	vld.idx.msk [tilespmem:v16+s2+$0x0], $0xffff  }
0xf9: {  	v7 =	vand.u32 $0xFFFFFF80, v12;
	v11 =	vld.idx.msk [tilespmem:v8+s2+$0x0], $0xffff;
	v8 =	vand.u32 $0xFFFFFF80, v14  }
0xfa: {  	v21 =	vadd.s32 v25, v7;
	v7 =	vadd.s32 v19, v39;
	v19 =	vand.u32 $0x7F, v14;
	v25 =	vld.idx.msk [tilespmem:v28+s26+$0x0], $0xffff  }
0xfb: {  	v27 =	vand.u32 $0x7F, v12;
	v10 =	vsub.f32 v30, v10;
	v12 =	vand.u32 $0xFFFFFF80, v7;
	v24 =	vld.idx.msk [tilespmem:v24+s2+$0x0], $0xffff  }
0xfc: {  	v28 =	vand.u32 $0x7F, v7;
	v12 =	vadd.s32 v26, v12;
	v26 =	vand.u32 $0xFFFFFF80, v17;
	v14 =	vld.idx.msk [tilespmem:v32+s26+$0x0], $0xffff  }
.Ltmp5:
0xfd: {  	v30 =	vand.u32 $0xFFFFFF80, v23;
	v7 =	vsub.f32 v9, v13;
	v13 =	vor.u32 v28, v12;
	(pc) =	sbr.rel @p1 .LBB2_8-.Ltmp5, $4  }
0xfe: {  	v8 =	vadd.s32 v34, v8;
	v9 =	vand.u32 $0x7F, v17;
	v16 =	vsub.f32 v16, v33  }
0xff: {  	v8 =	vor.u32 v19, v8;
	v17 =	vadd.s32 v18, v22;
	v22 =	vadd.s32 v15, v26;
	v12 =	vld.idx.msk [tilespmem:v29+s2+$0x0], $0xffff  }
0x100: {  	v18 =	vand.u32 $0x7F, v23;
	v15 =	vor.u32 v27, v21;
	v9 =	vor.u32 v9, v22;
	[tilespmem:v20+s31+$0x0] =	vst.idx.msk $0xffff, v16  }
0x101: {  	s14 =	sadd.s32 $0x80, s14;
	v19 =	vadd.s32 v35, v30;
	v16 =	vor.u32 v38, v17;
	v17 =	vsub.f32 v24, v25  }
0x102: {  	_ =	sdelay $0x3  }
0x103: {  	[tilespmem:v13+s31+$0x0] =	vst.idx.msk $0xffff, v10  }
0x104: {  	v18 =	vor.u32 v18, v19;
	v2 =	vsub.f32 v11, v2;
	[tilespmem:v15+s31+$0x0] =	vst.idx.msk $0xffff, v5  }
0x105: {  	v3 =	vsub.f32 v3, v14;
	[tilespmem:v4+s31+$0x0] =	vst.idx.msk $0xffff, v17  }
0x106: {  	s15 =	simm.s32 $0x20;
	[tilespmem:v16+s31+$0x0] =	vst.idx.msk $0xffff, v2;
	v2 =	vsub.f32 v12, v6  }
0x107: {  	s16 =	simm.s32 $0x30;
	v14 =	vor.u32 s15, v1;
	[tilespmem:v9+s31+$0x0] =	vst.idx.msk $0xffff, v3  }
0x108: {  	s11 =	simm.s32 $0x0;
	v15 =	vor.u32 s16, v1;
	v4 =	vmulhi.u32 $0x3E0F83E1, v14;
	[tilespmem:v8+s31+$0x0] =	vst.idx.msk $0xffff, v2  }
0x109: {  	s14 =	simm.s32 $0x10;
	v16 =	vor.u32 s11, v1;
	v5 =	vmulhi.u32 $0x3E0F83E1, v15;
	[tilespmem:v18+s31+$0x0] =	vst.idx.msk $0xffff, v7  }
0x10a: {  	s17 =	simm.s32 $0x40;
	s15 =	simm.s32 $0x50;
	v12 =	vor.u32 s14, v1;
	v2 =	vmulhi.u32 $0x3E0F83E1, v16;
	s8 =	rddreg [dreg:$0xb]  }
0x10b: {  	v19 =	vor.u32 s17, v1;
	v3 =	vmulhi.u32 $0x3E0F83E1, v12;
	[hbm4b:s8+s11] =	stream.linear.scatter [tilespmem:s31], [sflag:$0x5], $0x8000, $0x38;
	[tilespmem:$0x1C680] =	vst v63  }
0x10c: {  	v4 =	vshrl.u32 v4, $0x3;
	v18 =	vor.u32 s15, v1;
	v6 =	vshrl.u32 v2, $0x3;
	_ =	swait.ge [sflag:s25], $0x8000  }
0x10d: {  	v21 =	vshrl.u32 v3, $0x3;
	v9 =	vand.u32 $0x1FF, v4;
	v7 =	vand.u32 $0x1FF, v6;
	[sflag:s25] =	ssyncset.done $0x0  }
0x10e: {  	v2 =	vmulhi.u32 $0x3E0F83E1, v19;
	v8 =	vand.u32 $0x1FF, v21;
	v7 =	vadd.s32 $0x100, v7;
	s19 =	rddreg [dreg:$0xd];
	[sflag:s25] =	ssyncadd.s32 $0xFFFF8000  }
0x10f: {  	v5 =	vshrl.u32 v5, $0x3;
	v3 =	vmulhi.u32 $0x3E0F83E1, v18;
	v8 =	vadd.s32 $0x100, v8;
	[hbm4b:s19+s11] =	stream.linear.scatter [tilespmem:s31], [sflag:$0x5], $0x8000, $0x38;
	[tilespmem:$0x1C680] =	vst v63  }
0x110: {  	v10 =	vand.u32 $0x1FF, v5;
	v9 =	vadd.s32 $0x100, v9;
	v26 =	vshrl.u32 v2, $0x3;
	_ =	swait.ge [sflag:s25], $0x8000  }
0x111: {  	v11 =	vadd.s32 $0x100, v10;
	v30 =	vshrl.u32 v3, $0x3;
	v2 =	vand.u32 $0x1FF, v26;
	[sflag:s25] =	ssyncset.done $0x0  }
0x112: {  	s18 =	simm.s32 $0x60;
	v3 =	vand.u32 $0x1FF, v30;
	v28 =	vadd.s32 $0x100, v2;
	[sflag:s25] =	ssyncadd.s32 $0xFFFF8000  }
0x113: {  	v20 =	vor.u32 s18, v1;
	v13 =	vshll.u32 v4, $0x7;
	v31 =	vadd.s32 $0x100, v3;
	v2 =	vld.idx.msk [tilespmem:v7+s26+$0x0], $0xffff  }
0x114: {  	v10 =	vmulhi.u32 $0x3E0F83E1, v20;
	v24 =	vmul.u32 $0xFFFFFFDF, v6;
	v22 =	vshll.u32 v6, $0x7;
	v6 =	vld.idx.msk [tilespmem:v8+s26+$0x0], $0xffff  }
0x115: {  	s24 =	simm.s32 $0x70;
	v27 =	vmul.u32 $0xFFFFFFDF, v4;
	v25 =	vmul.u32 $0xFFFFFFDF, v5;
	v17 =	vshll.u32 v21, $0x7;
	v7 =	vld.idx.msk [tilespmem:v9+s26+$0x0], $0xffff  }
0x116: {  	v29 =	vmul.u32 $0xFFFFFFDF, v21;
	v21 =	vor.u32 s24, v1;
	v23 =	vshrl.u32 v10, $0x3;
	v3 =	vld.idx.msk [tilespmem:v11+s26+$0x0], $0xffff  }
0x117: {  	v10 =	vshll.u32 v5, $0x7;
	v11 =	vshll.u32 v26, $0x7;
	v9 =	vshll.u32 v30, $0x7;
	v4 =	vld.idx.msk [tilespmem:v28+s26+$0x0], $0xffff  }
0x118: {  	s14 =	simm.s32 $0x80;
	s11 =	simm.s32 $0x6440;
	v8 =	vshll.u32 v23, $0x7;
	v28 =	vmul.u32 $0xFFFFFFDF, v26;
	v5 =	vld.idx.msk [tilespmem:v31+s26+$0x0], $0xffff;
	v26 =	vmul.u32 $0xFFFFFFDF, v30  }
.LBB2_10:
0x119: {  	p1 =	slt.u32 s14, $0x2080;
	v16 =	vadd.s32 v16, v24;
	v24 =	vand.u32 $0x1FF, v23;
	v30 =	vld [tilespmem:s11+$0x30];
	v31 =	vmulhi.u32 $0x3E0F83E1, v21  }
0x11a: {  	v23 =	vmul.u32 $0xFFFFFFDF, v23;
	v32 =	vand.u32 $0xFFFFFF80, v16;
	v33 =	vld [tilespmem:s11+$0xFFFFFFD0];
	v24 =	vadd.s32 $0x100, v24  }
0x11b: {  	v12 =	vadd.s32 v12, v29;
	v14 =	vadd.s32 v14, v27;
	v29 =	vld [tilespmem:s11+$0xFFFFFFE0];
	v27 =	vshrl.u32 v31, $0x3  }
0x11c: {  	v15 =	vadd.s32 v15, v25;
	v19 =	vadd.s32 v19, v28;
	v31 =	vld [tilespmem:s11+$0xFFFFFFF0];
	v25 =	vand.u32 $0x1FF, v27  }
0x11d: {  	v18 =	vadd.s32 v18, v26;
	v20 =	vadd.s32 v20, v23;
	v28 =	vld [tilespmem:s11+$0x0];
	v23 =	vadd.s32 $0x100, v25  }
0x11e: {  	v22 =	vadd.s32 v22, v32;
	v25 =	vand.u32 $0x7F, v12;
	v26 =	vld [tilespmem:s11+$0x10];
	v30 =	vadd.s32 $0x2000, v30  }
0x11f: {  	v34 =	vand.u32 $0x7F, v15;
	v32 =	vadd.s32 $0x2000, v33;
	v33 =	vand.u32 $0x7F, v14;
	v35 =	vld [tilespmem:s11+$0x20]  }
0x120: {  	v37 =	vand.u32 $0x7F, v19;
	v38 =	vand.u32 $0x7F, v18;
	v36 =	vld [tilespmem:s11+$0xFFFFFFC0];
	v29 =	vadd.s32 $0x2000, v29  }
0x121: {  	v39 =	vmul.u32 $0xFFFFFFDF, v27;
	v12 =	vand.u32 $0xFFFFFF80, v12;
	v31 =	vadd.s32 $0x2000, v31;
	v24 =	vld.idx.msk [tilespmem:v24+s26+$0x0], $0xffff  }
0x122: {  	v15 =	vand.u32 $0xFFFFFF80, v15;
	v14 =	vand.u32 $0xFFFFFF80, v14;
	v28 =	vadd.s32 $0x2000, v28;
	v23 =	vld.idx.msk [tilespmem:v23+s26+$0x0], $0xffff  }
0x123: {  	v19 =	vand.u32 $0xFFFFFF80, v19;
	v21 =	vadd.s32 v21, v39;
	v26 =	vadd.s32 $0x2000, v26;
	v30 =	vld.idx.msk [tilespmem:v30+s2+$0x0], $0xffff  }
0x124: {  	v27 =	vshll.u32 v27, $0x7;
	v39 =	vand.u32 $0xFFFFFF80, v21;
	v32 =	vld.idx.msk [tilespmem:v32+s2+$0x0], $0xffff;
	v35 =	vadd.s32 $0x2000, v35  }
0x125: {  	v21 =	vand.u32 $0x7F, v21;
	v27 =	vadd.s32 v27, v39;
	v36 =	vadd.s32 $0x2000, v36;
	v29 =	vld.idx.msk [tilespmem:v29+s2+$0x0], $0xffff  }
0x126: {  	v18 =	vand.u32 $0xFFFFFF80, v18;
	v12 =	vadd.s32 v17, v12;
	v21 =	vor.u32 v21, v27;
	v17 =	vld.idx.msk [tilespmem:v31+s2+$0x0], $0xffff  }
0x127: {  	v12 =	vor.u32 v25, v12;
	v25 =	vand.u32 $0xFFFFFF80, v20;
	v13 =	vadd.s32 v13, v14;
	v14 =	vld.idx.msk [tilespmem:v28+s2+$0x0], $0xffff  }
0x128: {  	v10 =	vadd.s32 v10, v15;
	v11 =	vadd.s32 v11, v19;
	v13 =	vor.u32 v33, v13;
	v15 =	vld.idx.msk [tilespmem:v26+s2+$0x0], $0xffff  }
0x129: {  	v10 =	vor.u32 v34, v10;
	v9 =	vadd.s32 v9, v18;
	v19 =	vsub.f32 v30, v23;
	v18 =	vld.idx.msk [tilespmem:v35+s2+$0x0], $0xffff  }
0x12a: {  	v11 =	vor.u32 v37, v11;
	v8 =	vadd.s32 v8, v25;
	v6 =	vsub.f32 v32, v6;
	v23 =	vld.idx.msk [tilespmem:v36+s2+$0x0], $0xffff  }
0x12b: {  	v9 =	vor.u32 v38, v9;
	v20 =	vand.u32 $0x7F, v20;
	v7 =	vsub.f32 v29, v7;
	[tilespmem:v21+s31+$0x0] =	vst.idx.msk $0xffff, v19  }
0x12c: {  	v19 =	vand.u32 $0x7F, v16;
	v3 =	vsub.f32 v17, v3;
	[tilespmem:v12+s31+$0x0] =	vst.idx.msk $0xffff, v6;
	v6 =	vor.u32 v20, v8  }
0x12d: {  	s15 =	sadd.s32 $0x10, s14;
	v16 =	vor.u32 s14, v1;
	v8 =	vor.u32 v19, v22;
	v4 =	vsub.f32 v14, v4;
	[tilespmem:v13+s31+$0x0] =	vst.idx.msk $0xffff, v7  }
0x12e: {  	v12 =	vor.u32 s15, v1;
	s15 =	sadd.s32 $0x20, s14;
	v7 =	vmulhi.u32 $0x3E0F83E1, v16;
	[tilespmem:v10+s31+$0x0] =	vst.idx.msk $0xffff, v3;
	v3 =	vsub.f32 v15, v5  }
0x12f: {  	v14 =	vor.u32 s15, v1;
	s15 =	sadd.s32 $0x30, s14;
	v5 =	vmulhi.u32 $0x3E0F83E1, v12;
	[tilespmem:v11+s31+$0x0] =	vst.idx.msk $0xffff, v4;
	v4 =	vsub.f32 v18, v24  }
0x130: {  	s16 =	sadd.s32 $0x50, s14;
	v10 =	vmulhi.u32 $0x3E0F83E1, v14;
	v15 =	vor.u32 s15, v1;
	s15 =	sadd.s32 $0x40, s14;
	v2 =	vsub.f32 v23, v2;
	[tilespmem:v9+s31+$0x0] =	vst.idx.msk $0xffff, v3  }
0x131: {  	v19 =	vor.u32 s15, v1;
	v18 =	vor.u32 s16, v1;
	s15 =	sadd.s32 $0x60, s14;
	v3 =	vmulhi.u32 $0x3E0F83E1, v15;
	[tilespmem:v6+s31+$0x0] =	vst.idx.msk $0xffff, v4  }
0x132: {  	v20 =	vor.u32 s15, v1;
	v4 =	vshrl.u32 v7, $0x3;
	v6 =	vmulhi.u32 $0x3E0F83E1, v19;
	[tilespmem:v8+s31+$0x0] =	vst.idx.msk $0xffff, v2  }
0x133: {  	v5 =	vshrl.u32 v5, $0x3;
	v7 =	vmulhi.u32 $0x3E0F83E1, v18;
	v2 =	vand.u32 $0x1FF, v4  }
0x134: {  	v21 =	vshrl.u32 v10, $0x3;
	v8 =	vand.u32 $0x1FF, v5;
	v2 =	vadd.s32 $0x100, v2  }
0x135: {  	v9 =	vand.u32 $0x1FF, v21;
	v25 =	vshrl.u32 v3, $0x3;
	v8 =	vadd.s32 $0x100, v8  }
0x136: {  	v3 =	vadd.s32 $0x100, v9;
	v9 =	vand.u32 $0x1FF, v25;
	v26 =	vshrl.u32 v6, $0x3  }
0x137: {  	v30 =	vshrl.u32 v7, $0x3;
	v9 =	vadd.s32 $0x100, v9;
	v6 =	vand.u32 $0x1FF, v26  }
0x138: {  	v7 =	vmulhi.u32 $0x3E0F83E1, v20;
	v28 =	vadd.s32 $0x100, v6;
	v6 =	vand.u32 $0x1FF, v30  }
0x139: {  	v31 =	vadd.s32 $0x100, v6;
	v2 =	vld.idx.msk [tilespmem:v2+s26+$0x0], $0xffff  }
.Ltmp6:
0x13a: {  	v24 =	vmul.u32 $0xFFFFFFDF, v4;
	v22 =	vshll.u32 v4, $0x7;
	v23 =	vshrl.u32 v7, $0x3;
	v6 =	vld.idx.msk [tilespmem:v8+s26+$0x0], $0xffff;
	(pc) =	sbr.rel @p1 .LBB2_10-.Ltmp6, $4  }
0x13b: {  	v17 =	vshll.u32 v5, $0x7;
	v13 =	vshll.u32 v21, $0x7;
	v10 =	vshll.u32 v25, $0x7;
	v7 =	vld.idx.msk [tilespmem:v3+s26+$0x0], $0xffff  }
0x13c: {  	v11 =	vshll.u32 v26, $0x7;
	v8 =	vshll.u32 v23, $0x7;
	v3 =	vld.idx.msk [tilespmem:v9+s26+$0x0], $0xffff;
	v9 =	vshll.u32 v30, $0x7  }
0x13d: {  	s15 =	sadd.s32 $0x70, s14;
	v29 =	vmul.u32 $0xFFFFFFDF, v5;
	v27 =	vmul.u32 $0xFFFFFFDF, v21;
	v25 =	vmul.u32 $0xFFFFFFDF, v25;
	v4 =	vld.idx.msk [tilespmem:v28+s26+$0x0], $0xffff  }
0x13e: {  	s11 =	sadd.s32 $0x80, s11;
	s14 =	sadd.s32 $0x80, s14;
	v21 =	vor.u32 s15, v1;
	v28 =	vmul.u32 $0xFFFFFFDF, v26;
	v26 =	vmul.u32 $0xFFFFFFDF, v30;
	v5 =	vld.idx.msk [tilespmem:v31+s26+$0x0], $0xffff  }
0x13f: {  	v16 =	vadd.s32 v16, v24  }
0x140: {  	v54 =	vand.u32 $0x1FF, v23;
	v31 =	vmulhi.u32 $0x3E0F83E1, v21;
	v23 =	vmul.u32 $0xFFFFFFDF, v23  }
0x141: {  	v30 =	vld [tilespmem:s11+$0x30];
	v12 =	vadd.s32 v12, v29;
	v14 =	vadd.s32 v14, v27;
	v15 =	vadd.s32 v15, v25  }
0x142: {  	v33 =	vld [tilespmem:s11+$0xFFFFFFD0];
	v32 =	vand.u32 $0xFFFFFF80, v16;
	v24 =	vadd.s32 $0x100, v54;
	v19 =	vadd.s32 v19, v28  }
0x143: {  	v55 =	vld [tilespmem:s11+$0xFFFFFFE0];
	v18 =	vadd.s32 v18, v26;
	v60 =	vand.u32 $0x7F, v12;
	v56 =	vshrl.u32 v31, $0x3  }
0x144: {  	v57 =	vld [tilespmem:s11+$0xFFFFFFF0];
	v63 =	vand.u32 $0x7F, v14;
	v34 =	vand.u32 $0x7F, v15;
	v58 =	vand.u32 $0x1FF, v56  }
0x145: {  	v59 =	vld [tilespmem:s11+$0x0];
	v12 =	vand.u32 $0xFFFFFF80, v12;
	v20 =	vadd.s32 v20, v23;
	v23 =	vadd.s32 $0x100, v58  }
0x146: {  	v61 =	vld [tilespmem:s11+$0x10];
	v14 =	vand.u32 $0xFFFFFF80, v14;
	v15 =	vand.u32 $0xFFFFFF80, v15;
	v30 =	vadd.s32 $0x2000, v30  }
0x147: {  	v35 =	vld [tilespmem:s11+$0x20];
	v22 =	vadd.s32 v22, v32;
	v37 =	vand.u32 $0x7F, v19;
	v62 =	vadd.s32 $0x2000, v33  }
0x148: {  	v36 =	vld [tilespmem:s11+$0xFFFFFFC0];
	v38 =	vand.u32 $0x7F, v18;
	v39 =	vmul.u32 $0xFFFFFFDF, v56;
	v29 =	vadd.s32 $0x2000, v55  }
0x149: {  	v19 =	vand.u32 $0xFFFFFF80, v19;
	v12 =	vadd.s32 v17, v12;
	v31 =	vadd.s32 $0x2000, v57;
	v24 =	vld.idx.msk [tilespmem:v24+s26+$0x0], $0xffff  }
0x14a: {  	v18 =	vand.u32 $0xFFFFFF80, v18;
	v28 =	vadd.s32 $0x2000, v59;
	v21 =	vadd.s32 v21, v39;
	v23 =	vld.idx.msk [tilespmem:v23+s26+$0x0], $0xffff  }
0x14b: {  	v27 =	vshll.u32 v56, $0x7;
	v26 =	vadd.s32 $0x2000, v61;
	v39 =	vand.u32 $0xFFFFFF80, v21;
	v30 =	vld.idx.msk [tilespmem:v30+s2+$0x0], $0xffff  }
0x14c: {  	v35 =	vadd.s32 $0x2000, v35;
	v21 =	vand.u32 $0x7F, v21;
	v27 =	vadd.s32 v27, v39;
	v32 =	vld.idx.msk [tilespmem:v62+s2+$0x0], $0xffff  }
0x14d: {  	v13 =	vadd.s32 v13, v14;
	v36 =	vadd.s32 $0x2000, v36;
	v21 =	vor.u32 v21, v27;
	v29 =	vld.idx.msk [tilespmem:v29+s2+$0x0], $0xffff  }
0x14e: {  	v10 =	vadd.s32 v10, v15;
	v12 =	vor.u32 v60, v12;
	v42 =	vand.u32 $0xFFFFFF80, v20;
	v17 =	vld.idx.msk [tilespmem:v31+s2+$0x0], $0xffff  }
0x14f: {  	v13 =	vor.u32 v63, v13;
	v11 =	vadd.s32 v11, v19;
	v10 =	vor.u32 v34, v10;
	v14 =	vld.idx.msk [tilespmem:v28+s2+$0x0], $0xffff  }
0x150: {  	v9 =	vadd.s32 v9, v18;
	v20 =	vand.u32 $0x7F, v20;
	v15 =	vld.idx.msk [tilespmem:v26+s2+$0x0], $0xffff;
	v19 =	vsub.f32 v30, v23  }
0x151: {  	v11 =	vor.u32 v37, v11;
	v8 =	vadd.s32 v8, v42;
	v18 =	vld.idx.msk [tilespmem:v35+s2+$0x0], $0xffff;
	v6 =	vsub.f32 v32, v6  }
0x152: {  	v9 =	vor.u32 v38, v9;
	v23 =	vld.idx.msk [tilespmem:v36+s2+$0x0], $0xffff;
	v7 =	vsub.f32 v29, v7;
	[tilespmem:v21+s31+$0x0] =	vst.idx.msk $0xffff, v19  }
0x153: {  	v16 =	vand.u32 $0x7F, v16;
	v3 =	vsub.f32 v17, v3;
	[tilespmem:v12+s31+$0x0] =	vst.idx.msk $0xffff, v6;
	v6 =	vor.u32 v20, v8  }
0x154: {  	v4 =	vsub.f32 v14, v4;
	v8 =	vor.u32 v16, v22;
	[tilespmem:v13+s31+$0x0] =	vst.idx.msk $0xffff, v7  }
0x155: {  	[tilespmem:v10+s31+$0x0] =	vst.idx.msk $0xffff, v3;
	v3 =	vsub.f32 v15, v5  }
0x156: {  	[tilespmem:v11+s31+$0x0] =	vst.idx.msk $0xffff, v4;
	v4 =	vsub.f32 v18, v24  }
0x157: {  	[tilespmem:v9+s31+$0x0] =	vst.idx.msk $0xffff, v3;
	v2 =	vsub.f32 v23, v2  }
0x158: {  	s24 =	simm.s32 $0x30;
	[tilespmem:v6+s31+$0x0] =	vst.idx.msk $0xffff, v4  }
0x159: {  	v14 =	vor.u32 s24, v1;
	[tilespmem:v8+s31+$0x0] =	vst.idx.msk $0xffff, v2  }
0x15a: {  	s13 =	simm.s32 $0x0;
	s19 =	simm.s32 $0x60;
	v17 =	vmulhi.u32 $0x3E0F83E1, v14;
	s8 =	rddreg [dreg:$0xe]  }
0x15b: {  	v10 =	vor.u32 s13, v1;
	[hbm4b:s8+s13] =	stream.linear.scatter [tilespmem:s31], [sflag:$0x5], $0x8000, $0x38;
	[tilespmem:$0x1C680] =	vst v63  }
0x15c: {  	s16 =	simm.s32 $0x20;
	s18 =	simm.s32 $0x70;
	v11 =	vor.u32 s19, v1;
	v17 =	vshrl.u32 v17, $0x3;
	v53 =	vmulhi.u32 $0x3E0F83E1, v10;
	_ =	swait.ge [sflag:s25], $0x8000  }
0x15d: {  	v55 =	vmulhi.u32 $0x3E0F83E1, v11;
	v3 =	vor.u32 s16, v1;
	v9 =	vor.u32 s18, v1;
	[sflag:s25] =	ssyncset.done $0x0  }
0x15e: {  	s16 =	simm.s32 $0x50;
	v43 =	vor.u32 $0x200, v17;
	v47 =	vshll.u32 v17, $0x7;
	v17 =	vmul.u32 $0xFFFFFFDF, v17;
	s15 =	rddreg [dreg:$0xf];
	[sflag:s25] =	ssyncadd.s32 $0xFFFF8000  }
0x15f: {  	v7 =	vor.u32 s16, v1;
	v15 =	vmulhi.u32 $0x3E0F83E1, v9;
	v34 =	vshrl.u32 v55, $0x3;
	[hbm4b:s15+s13] =	stream.linear.scatter [tilespmem:s31], [sflag:$0x5], $0x8000, $0x38;
	[tilespmem:$0x1C680] =	vst v63  }
0x160: {  	v25 =	vshrl.u32 v53, $0x3;
	v21 =	vmulhi.u32 $0x3E0F83E1, v7;
	v56 =	vor.u32 $0x200, v34;
	_ =	swait.ge [sflag:s25], $0x8000  }
0x161: {  	s17 =	simm.s32 $0x40;
	v57 =	vor.u32 $0x200, v25;
	v14 =	vadd.s32 v14, v17;
	v58 =	vshll.u32 v34, $0x7;
	[sflag:s25] =	ssyncset.done $0x0  }
0x162: {  	s14 =	simm.s32 $0x6440;
	v34 =	vmul.u32 $0xFFFFFFDF, v34;
	v6 =	vor.u32 s17, v1;
	v8 =	vmulhi.u32 $0x3E0F83E1, v3;
	[sflag:s25] =	ssyncadd.s32 $0xFFFF8000  }
0x163: {  	v15 =	vshrl.u32 v15, $0x3;
	v17 =	vand.u32 $0xFFFFFF80, v14;
	v14 =	vand.u32 $0x7F, v14;
	v2 =	vld [tilespmem:s14+$0x20]  }
0x164: {  	v12 =	vmulhi.u32 $0x3E0F83E1, v6;
	v22 =	vmul.u32 $0xFFFFFFDF, v15;
	v23 =	vor.u32 $0x200, v15;
	v4 =	vld [tilespmem:s14+$0xFFFFFFD0]  }
0x165: {  	v15 =	vshll.u32 v15, $0x7;
	v21 =	vshrl.u32 v21, $0x3;
	v17 =	vadd.s32 v47, v17;
	v13 =	vld [tilespmem:s14+$0xFFFFFFF0]  }
0x166: {  	v62 =	vadd.s32 v11, v34;
	v8 =	vshrl.u32 v8, $0x3;
	v52 =	vor.u32 $0x200, v21;
	v44 =	vld [tilespmem:s14+$0x30]  }
0x167: {  	v54 =	vmul.u32 $0xFFFFFFDF, v21;
	v21 =	vshll.u32 v21, $0x7;
	v12 =	vshrl.u32 v12, $0x3;
	v18 =	vld [tilespmem:s14+$0x10]  }
0x168: {  	v63 =	vand.u32 $0xFFFFFF80, v62;
	v9 =	vadd.s32 v9, v22;
	v46 =	vor.u32 $0x200, v12;
	v22 =	vld [tilespmem:s14+$0xFFFFFFC0]  }
0x169: {  	v17 =	vor.u32 v14, v17;
	v16 =	vor.u32 $0x200, v8;
	v48 =	vand.u32 $0xFFFFFF80, v9;
	v49 =	vld [tilespmem:s14+$0x0]  }
0x16a: {  	v9 =	vand.u32 $0x7F, v9;
	v15 =	vadd.s32 v15, v48;
	v50 =	vld [tilespmem:s14+$0xFFFFFFE0];
	v13 =	vadd.s32 $0x4000, v13  }
0x16b: {  	v19 =	vshll.u32 v8, $0x7;
	v15 =	vor.u32 v9, v15;
	v24 =	vld.idx.msk [tilespmem:v43+s26+$0x0], $0xffff;
	v9 =	vadd.s32 $0x4000, v44  }
0x16c: {  	v8 =	vmul.u32 $0xFFFFFFDF, v8;
	v45 =	vshll.u32 v12, $0x7;
	v7 =	vadd.s32 v7, v54;
	v23 =	vld.idx.msk [tilespmem:v23+s26+$0x0], $0xffff  }
0x16d: {  	v12 =	vmul.u32 $0xFFFFFFDF, v12;
	v33 =	vand.u32 $0xFFFFFF80, v7;
	v27 =	vld.idx.msk [tilespmem:v46+s26+$0x0], $0xffff;
	v4 =	vadd.s32 $0x4000, v4  }
0x16e: {  	v7 =	vand.u32 $0x7F, v7;
	s15 =	simm.s32 $0x10;
	v21 =	vadd.s32 v21, v33;
	v60 =	vld.idx.msk [tilespmem:v16+s26+$0x0], $0xffff;
	v22 =	vadd.s32 $0x4000, v22  }
0x16f: {  	v12 =	vadd.s32 v6, v12;
	v5 =	vor.u32 s15, v1;
	v29 =	vadd.s32 $0x4000, v50;
	v13 =	vld.idx.msk [tilespmem:v13+s2+$0x0], $0xffff  }
0x170: {  	v6 =	vor.u32 v7, v21;
	v20 =	vmulhi.u32 $0x3E0F83E1, v5;
	v30 =	vadd.s32 $0x4000, v49;
	v9 =	vld.idx.msk [tilespmem:v9+s2+$0x0], $0xffff  }
0x171: {  	v7 =	vadd.s32 v3, v8;
	v21 =	vand.u32 $0x7F, v12;
	v12 =	vand.u32 $0xFFFFFF80, v12;
	v11 =	vld.idx.msk [tilespmem:v52+s26+$0x0], $0xffff  }
0x172: {  	v8 =	vand.u32 $0xFFFFFF80, v7;
	v20 =	vshrl.u32 v20, $0x3;
	v2 =	vadd.s32 $0x4000, v2;
	v3 =	vld.idx.msk [tilespmem:v4+s2+$0x0], $0xffff  }
0x173: {  	v16 =	vadd.s32 v19, v8;
	v51 =	vor.u32 $0x200, v20;
	v18 =	vadd.s32 $0x4000, v18;
	v4 =	vld.idx.msk [tilespmem:v22+s2+$0x0], $0xffff  }
0x174: {  	v59 =	vmul.u32 $0xFFFFFFDF, v20;
	v22 =	vmul.u32 $0xFFFFFFDF, v25;
	v8 =	vsub.f32 v13, v24;
	v13 =	vld.idx.msk [tilespmem:v29+s2+$0x0], $0xffff  }
0x175: {  	v7 =	vand.u32 $0x7F, v7;
	v12 =	vadd.s32 v45, v12;
	v19 =	vsub.f32 v9, v23;
	v23 =	vld.idx.msk [tilespmem:v30+s2+$0x0], $0xffff  }
0x176: {  	v7 =	vor.u32 v7, v16;
	v16 =	vld.idx.msk [tilespmem:v56+s26+$0x0], $0xffff;
	v61 =	vadd.s32 v5, v59;
	v9 =	vadd.s32 v10, v22  }
0x177: {  	v5 =	vand.u32 $0x7F, v61;
	v2 =	vld.idx.msk [tilespmem:v2+s2+$0x0], $0xffff;
	v25 =	vshll.u32 v25, $0x7;
	v22 =	vand.u32 $0xFFFFFF80, v9  }
0x178: {  	v10 =	vld.idx.msk [tilespmem:v18+s2+$0x0], $0xffff;
	v18 =	vor.u32 v21, v12;
	v21 =	vshll.u32 v20, $0x7;
	v12 =	vadd.s32 v25, v22  }
0x179: {  	v20 =	vand.u32 $0x7F, v62;
	[tilespmem:v15+s31+$0x0] =	vst.idx.msk $0xffff, v19;
	v15 =	vld.idx.msk [tilespmem:v51+s26+$0x0], $0xffff;
	v19 =	vand.u32 $0xFFFFFF80, v61;
	v22 =	vadd.s32 v58, v63  }
0x17a: {  	s11 =	simm.s32 $0x80;
	s14 =	simm.s32 $0x64C0;
	v21 =	vadd.s32 v21, v19;
	v14 =	vsub.f32 v13, v60;
	v13 =	vld.idx.msk [tilespmem:v57+s26+$0x0], $0xffff;
	v19 =	vsub.f32 v23, v27  }
.LBB2_12:
0x17b: {  	s15 =	sadd.s32 $0x10, s11  }
0x17c: {  	s16 =	sadd.s32 $0x20, s11;
	s17 =	sadd.s32 $0x30, s11;
	v23 =	vld [tilespmem:s14+$0x20];
	v21 =	vor.u32 v5, v21;
	v2 =	vsub.f32 v2, v16;
	v16 =	vor.u32 v20, v22;
	s18 =	smov.u32 s11  }
0x17d: {  	s19 =	sadd.s32 $0x60, s11;
	v10 =	vsub.f32 v10, v11;
	v5 =	vor.u32 s15, v1;
	v20 =	vor.u32 s16, v1;
	s15 =	sadd.s32 $0x40, s11;
	s16 =	sadd.s32 $0x50, s11;
	[tilespmem:v18+s31+$0x0] =	vst.idx.msk $0xffff, v19  }
0x17e: {  	p1 =	slt.u32 s11, $0x2080;
	s11 =	sadd.s32 $0x80, s11;
	v3 =	vsub.f32 v3, v15;
	v11 =	vld [tilespmem:s14+$0xFFFFFFD0];
	v18 =	vor.u32 s15, v1;
	v19 =	vor.u32 s16, v1;
	s15 =	sadd.s32 $0x70, s18;
	[tilespmem:v17+s31+$0x0] =	vst.idx.msk $0xffff, v8  }
0x17f: {  	v9 =	vand.u32 $0x7F, v9;
	v8 =	vmulhi.u32 $0x3E0F83E1, v20;
	v15 =	vld [tilespmem:s14+$0x10];
	v17 =	vor.u32 s15, v1;
	[tilespmem:v6+s31+$0x0] =	vst.idx.msk $0xffff, v10  }
0x180: {  	v22 =	vor.u32 s18, v1;
	v24 =	vor.u32 s19, v1;
	v9 =	vor.u32 v9, v12;
	v6 =	vld [tilespmem:s14+$0x0];
	[tilespmem:v7+s31+$0x0] =	vst.idx.msk $0xffff, v14  }
0x181: {  	v4 =	vsub.f32 v4, v13;
	v7 =	vmulhi.u32 $0x3E0F83E1, v18;
	v10 =	vadd.s32 $0x4000, v23;
	v12 =	vld [tilespmem:s14+$0x30];
	[tilespmem:v21+s31+$0x0] =	vst.idx.msk $0xffff, v3  }
0x182: {  	v13 =	vor.u32 s17, v1;
	v14 =	vmulhi.u32 $0x3E0F83E1, v17;
	v3 =	vshrl.u32 v8, $0x3;
	v8 =	vld [tilespmem:s14+$0xFFFFFFF0];
	[tilespmem:v16+s31+$0x0] =	vst.idx.msk $0xffff, v2  }
0x183: {  	v16 =	vor.u32 $0x200, v3;
	v21 =	vshll.u32 v3, $0x7;
	v2 =	vmulhi.u32 $0x3E0F83E1, v13  }
0x184: {  	v23 =	vmulhi.u32 $0x3E0F83E1, v5;
	v7 =	vshrl.u32 v7, $0x3;
	v11 =	vadd.s32 $0x4000, v11  }
0x185: {  	v25 =	vmul.u32 $0xFFFFFFDF, v3;
	v3 =	vshrl.u32 v14, $0x3;
	v26 =	vshrl.u32 v2, $0x3;
	[tilespmem:v9+s31+$0x0] =	vst.idx.msk $0xffff, v4  }
0x186: {  	v4 =	vmulhi.u32 $0x3E0F83E1, v19;
	v9 =	vor.u32 $0x200, v3;
	v2 =	vld.idx.msk [tilespmem:v10+s2+$0x0], $0xffff;
	v10 =	vmul.u32 $0xFFFFFFDF, v3  }
0x187: {  	v27 =	vshll.u32 v7, $0x7;
	v14 =	vor.u32 $0x200, v26;
	v8 =	vadd.s32 $0x4000, v8  }
0x188: {  	v29 =	vor.u32 $0x200, v7;
	v15 =	vadd.s32 $0x4000, v15;
	v28 =	vld [tilespmem:s14+$0xFFFFFFC0];
	v10 =	vadd.s32 v17, v10  }
0x189: {  	v3 =	vshll.u32 v3, $0x7;
	v17 =	vshll.u32 v26, $0x7;
	v30 =	vand.u32 $0xFFFFFF80, v10  }
0x18a: {  	v7 =	vmul.u32 $0xFFFFFFDF, v7;
	v10 =	vand.u32 $0x7F, v10;
	v3 =	vadd.s32 v3, v30  }
0x18b: {  	v23 =	vshrl.u32 v23, $0x3;
	v4 =	vshrl.u32 v4, $0x3;
	v30 =	vld [tilespmem:s14+$0xFFFFFFE0];
	v31 =	vor.u32 v10, v3  }
0x18c: {  	v32 =	vor.u32 $0x200, v23;
	v33 =	vor.u32 $0x200, v4;
	v10 =	vadd.s32 $0x4000, v12;
	v8 =	vld.idx.msk [tilespmem:v8+s2+$0x0], $0xffff  }
0x18d: {  	v34 =	vmul.u32 $0xFFFFFFDF, v4;
	v12 =	vadd.s32 $0x4000, v28;
	v28 =	vmulhi.u32 $0x3E0F83E1, v22;
	v29 =	vld.idx.msk [tilespmem:v29+s26+$0x0], $0xffff  }
0x18e: {  	v35 =	vmulhi.u32 $0x3E0F83E1, v24;
	v4 =	vshll.u32 v4, $0x7  }
0x18f: {  	v3 =	vld.idx.msk [tilespmem:v11+s2+$0x0], $0xffff;
	v11 =	vmul.u32 $0xFFFFFFDF, v26;
	v26 =	vadd.s32 $0x4000, v6;
	v6 =	vadd.s32 v19, v34  }
0x190: {  	v19 =	vshrl.u32 v28, $0x3;
	v34 =	vshrl.u32 v35, $0x3;
	v14 =	vld.idx.msk [tilespmem:v14+s26+$0x0], $0xffff;
	v28 =	vand.u32 $0xFFFFFF80, v6  }
0x191: {  	v30 =	vadd.s32 $0x4000, v30;
	v35 =	vor.u32 $0x200, v34;
	v28 =	vadd.s32 v4, v28;
	v9 =	vld.idx.msk [tilespmem:v9+s26+$0x0], $0xffff  }
0x192: {  	v36 =	vor.u32 $0x200, v19;
	v6 =	vand.u32 $0x7F, v6;
	v11 =	vadd.s32 v13, v11;
	v13 =	vld.idx.msk [tilespmem:v10+s2+$0x0], $0xffff  }
0x193: {  	v7 =	vadd.s32 v18, v7;
	v6 =	vor.u32 v6, v28;
	v4 =	vld.idx.msk [tilespmem:v12+s2+$0x0], $0xffff;
	v12 =	vand.u32 $0xFFFFFF80, v11  }
0x194: {  	v18 =	vand.u32 $0x7F, v7;
	v28 =	vld.idx.msk [tilespmem:v16+s26+$0x0], $0xffff;
	v16 =	vadd.s32 v20, v25;
	v25 =	vshll.u32 v34, $0x7  }
0x195: {  	v37 =	vand.u32 $0xFFFFFF80, v7;
	v20 =	vmul.u32 $0xFFFFFFDF, v23;
	v34 =	vmul.u32 $0xFFFFFFDF, v34;
	v26 =	vld.idx.msk [tilespmem:v26+s2+$0x0], $0xffff  }
0x196: {  	v38 =	vmul.u32 $0xFFFFFFDF, v19;
	v19 =	vshll.u32 v19, $0x7;
	v7 =	vand.u32 $0xFFFFFF80, v16;
	v10 =	vld.idx.msk [tilespmem:v15+s2+$0x0], $0xffff  }
0x197: {  	v8 =	vsub.f32 v8, v14;
	v15 =	vand.u32 $0x7F, v16;
	v7 =	vadd.s32 v21, v7;
	v30 =	vld.idx.msk [tilespmem:v30+s2+$0x0], $0xffff  }
0x198: {  	v14 =	vand.u32 $0x7F, v11;
	v7 =	vor.u32 v15, v7;
	v13 =	vsub.f32 v13, v9;
	v11 =	vld.idx.msk [tilespmem:v33+s26+$0x0], $0xffff  }
0x199: {  	v17 =	vadd.s32 v17, v12;
	v12 =	vadd.s32 v27, v37;
	v9 =	vadd.s32 v22, v38;
	v16 =	vld.idx.msk [tilespmem:v35+s26+$0x0], $0xffff  }
.Ltmp7:
0x19a: {  	v20 =	vadd.s32 v5, v20;
	v22 =	vadd.s32 v24, v34;
	v21 =	vand.u32 $0xFFFFFF80, v9;
	[tilespmem:v31+s31+$0x0] =	vst.idx.msk $0xffff, v13;
	(pc) =	sbr.rel @p1 .LBB2_12-.Ltmp7, $4  }
0x19b: {  	v18 =	vor.u32 v18, v12;
	v5 =	vand.u32 $0x7F, v20;
	v24 =	vand.u32 $0xFFFFFF80, v22;
	v15 =	vld.idx.msk [tilespmem:v32+s26+$0x0], $0xffff  }
0x19c: {  	v17 =	vor.u32 v14, v17;
	v12 =	vadd.s32 v19, v21;
	v19 =	vshll.u32 v23, $0x7  }
0x19d: {  	v21 =	vand.u32 $0xFFFFFF80, v20;
	v20 =	vand.u32 $0x7F, v22;
	v14 =	vsub.f32 v30, v28;
	v13 =	vld.idx.msk [tilespmem:v36+s26+$0x0], $0xffff  }
0x19e: {  	s14 =	sadd.s32 $0x80, s14;
	v22 =	vadd.s32 v25, v24;
	v21 =	vadd.s32 v19, v21;
	v19 =	vsub.f32 v26, v29  }
0x19f: {  	_ =	sdelay $0x2  }
0x1a0: {  	v5 =	vor.u32 v5, v21  }
0x1a1: {  	v20 =	vor.u32 v20, v22;
	v9 =	vand.u32 $0x7F, v9;
	[tilespmem:v17+s31+$0x0] =	vst.idx.msk $0xffff, v8  }
0x1a2: {  	v10 =	vsub.f32 v10, v11;
	[tilespmem:v7+s31+$0x0] =	vst.idx.msk $0xffff, v14;
	v63 =	vor.u32 v9, v12  }
0x1a3: {  	[tilespmem:v18+s31+$0x0] =	vst.idx.msk $0xffff, v19;
	v3 =	vsub.f32 v3, v15  }
0x1a4: {  	v2 =	vsub.f32 v2, v16;
	[tilespmem:v6+s31+$0x0] =	vst.idx.msk $0xffff, v10  }
0x1a5: {  	v4 =	vsub.f32 v4, v13;
	[tilespmem:v5+s31+$0x0] =	vst.idx.msk $0xffff, v3  }
0x1a6: {  	[tilespmem:v20+s31+$0x0] =	vst.idx.msk $0xffff, v2  }
0x1a7: {  	[tilespmem:v63+s31+$0x0] =	vst.idx.msk $0xffff, v4  }
0x1a8: {  	s11 =	simm.s32 $0x0;
	s8 =	rddreg [dreg:$0x10]  }
0x1a9: {  	[hbm4b:s8+s11] =	stream.linear.scatter [tilespmem:s31], [sflag:$0x5], $0x8000, $0x38;
	[tilespmem:$0x1C680] =	vst v63  }
0x1aa: {  	_ =	swait.ge [sflag:s25], $0x8000  }
0x1ab: {  	[sflag:s25] =	ssyncset.done $0x0  }
0x1ac: {  	s24 =	rddreg [dreg:$0x11];
	[sflag:s25] =	ssyncadd.s32 $0xFFFF8000  }
0x1ad: {  	[hbm4b:s24+s11] =	stream.linear.scatter [tilespmem:s31], [sflag:$0x5], $0x8000, $0x38;
	[tilespmem:$0x1C680] =	vst v63  }
0x1ae: {  	_ =	swait.ge [sflag:s25], $0x8000  }
0x1af: {  	[sflag:s25] =	ssyncset.done $0x0  }
0x1b0: {  	s14 =	simm.s32 $0x0;
	[sflag:s25] =	ssyncadd.s32 $0xFFFF8000  }
.LBB2_14:
0x1b1: {  	s15 =	simm.s32 $0x20;
	v19 =	vor.u32 s11, v1  }
0x1b2: {  	s16 =	simm.s32 $0x10;
	v7 =	vor.u32 s15, v1;
	v21 =	vmulhi.u32 $0x3E0F83E1, v19  }
0x1b3: {  	s17 =	simm.s32 $0x40;
	v3 =	vor.u32 s16, v1;
	v4 =	vmulhi.u32 $0x3E0F83E1, v7  }
0x1b4: {  	s19 =	simm.s32 $0x70;
	v2 =	vor.u32 s17, v1;
	v6 =	vmulhi.u32 $0x3E0F83E1, v3  }
0x1b5: {  	s18 =	simm.s32 $0x60;
	v9 =	vor.u32 s19, v1;
	v10 =	vmulhi.u32 $0x3E0F83E1, v2  }
0x1b6: {  	s16 =	simm.s32 $0x50;
	v11 =	vor.u32 s18, v1;
	v13 =	vmulhi.u32 $0x3E0F83E1, v9  }
0x1b7: {  	s17 =	simm.s32 $0x30;
	v5 =	vor.u32 s16, v1;
	v15 =	vmulhi.u32 $0x3E0F83E1, v11  }
0x1b8: {  	v12 =	vor.u32 s17, v1;
	v8 =	vmulhi.u32 $0x3E0F83E1, v5  }
0x1b9: {  	v18 =	vmulhi.u32 $0x3E0F83E1, v12  }
0x1ba: {  	v21 =	vshrl.u32 v21, $0x3;
	v6 =	vshrl.u32 v6, $0x3;
	v13 =	vshrl.u32 v13, $0x3  }
0x1bb: {  	_ =	swait.ge [sflag:s5], $0x2000;
	v17 =	vshrl.u32 v4, $0x3;
	v15 =	vshrl.u32 v15, $0x3;
	v63 =	vshrl.u32 v10, $0x3  }
0x1bc: {  	p1 =	seq.s32 s14, $0x0;
	[sflag:s5] =	ssyncset.done $0x0;
	v14 =	vmul.u32 $0xFFFFFFDF, v6;
	v8 =	vshrl.u32 v8, $0x3;
	v4 =	vshll.u32 v13, $0x7  }
0x1bd: {  	s15 =	simm.s32 @!p1 $0x3;
	[sflag:s5] =	ssyncadd.s32 $0xFFFFE000;
	v13 =	vmul.u32 $0xFFFFFFDF, v13;
	v18 =	vshrl.u32 v18, $0x3;
	v20 =	vmul.u32 $0xFFFFFFDF, v15  }
0x1be: {  	_ =	swait.ge @!p1 [sflag:s15], $0x8000;
	v27 =	vshll.u32 v6, $0x7;
	v31 =	vshll.u32 v15, $0x7;
	v16 =	vmul.u32 $0xFFFFFFDF, v8  }
0x1bf: {  	[sflag:s15] =	ssyncset.done @!p1 $0x0;
	v15 =	vshll.u32 v21, $0x7;
	v8 =	vshll.u32 v8, $0x7;
	v22 =	vmul.u32 $0xFFFFFFDF, v18  }
0x1c0: {  	s24 =	simm.s32 $0x6440;
	[sflag:s15] =	ssyncadd.s32 @!p1 $0xFFFF8000;
	v29 =	vshll.u32 v18, $0x7;
	v3 =	vadd.s32 v3, v14;
	v5 =	vadd.s32 v5, v16  }
0x1c1: {  	v25 =	vld [tilespmem:s24+$0x10];
	v14 =	vshll.u32 v17, $0x7;
	v9 =	vadd.s32 v9, v13;
	v16 =	vand.u32 $0xFFFFFF80, v5  }
0x1c2: {  	v24 =	vand.u32 $0x7F, v5;
	v5 =	vadd.s32 v12, v22;
	v22 =	vld [tilespmem:s24+$0xFFFFFFD0];
	v12 =	vmul.u32 $0xFFFFFFDF, v21  }
0x1c3: {  	v28 =	vld [tilespmem:s24+$0xFFFFFFF0];
	v13 =	vand.u32 $0xFFFFFF80, v3;
	v23 =	vand.u32 $0x7F, v3;
	v3 =	vand.u32 $0xFFFFFF80, v9  }
0x1c4: {  	v10 =	vld [tilespmem:s24+$0xFFFFFFE0];
	v17 =	vmul.u32 $0xFFFFFFDF, v17;
	v3 =	vadd.s32 v4, v3;
	v12 =	vadd.s32 v19, v12  }
0x1c5: {  	v16 =	vadd.s32 v8, v16;
	v8 =	vand.u32 $0xFFFFFF80, v12;
	v30 =	vand.u32 $0x7F, v12;
	v12 =	vld [tilespmem:s24+$0xFFFFFFC0]  }
0x1c6: {  	v4 =	vld [tilespmem:s24+$0x30];
	v13 =	vadd.s32 v27, v13;
	v26 =	vand.u32 $0xFFFFFF80, v5;
	v6 =	vand.u32 $0x7F, v5  }
0x1c7: {  	v32 =	vadd.s32 v15, v8;
	v8 =	vor.u32 v23, v13;
	v13 =	vadd.s32 v7, v17;
	v7 =	vld [tilespmem:s24+$0x20]  }
0x1c8: {  	v5 =	vld [tilespmem:s24+$0x0];
	v18 =	vor.u32 v24, v16;
	v19 =	vadd.s32 v11, v20;
	v11 =	vshll.u32 v63, $0x7  }
0x1c9: {  	v17 =	vmul.u32 $0xFFFFFFDF, v63;
	v23 =	vadd.s32 v29, v26;
	v16 =	vld.idx.msk [tilespmem:v25+s29+$0x0], $0xffff;
	v20 =	vand.u32 $0xFFFFFF80, v13  }
0x1ca: {  	v21 =	vand.u32 $0x7F, v13;
	v15 =	vld.idx.msk [tilespmem:v22+s29+$0x0], $0xffff;
	v22 =	vadd.s32 v14, v20;
	v20 =	vand.u32 $0xFFFFFF80, v19  }
0x1cb: {  	s16 =	simm.s32 $0x80;
	s17 =	simm.s32 $0x64C0;
	s15 =	sshll.u32 s14, $0x1;
	v13 =	vand.u32 $0x7F, v9;
	v9 =	vor.u32 v30, v32;
	v14 =	vld.idx.msk [tilespmem:v28+s29+$0x0], $0xffff;
	v20 =	vadd.s32 v31, v20  }
.LBB2_15:
0x1cc: {  	s19 =	sadd.s32 $0x10, s16  }
0x1cd: {  	s24 =	sadd.s32 $0x20, s16;
	s12 =	sadd.s32 $0x30, s16;
	v12 =	vld.idx.msk [tilespmem:v12+s29+$0x0], $0xffff;
	v21 =	vor.u32 v21, v22;
	v6 =	vor.u32 v6, v23;
	v19 =	vand.u32 $0x7F, v19;
	s18 =	smov.u32 s16  }
0x1ce: {  	s13 =	sadd.s32 $0x60, s16;
	v17 =	vadd.s32 v2, v17;
	v22 =	vor.u32 s19, v1;
	v23 =	vor.u32 s24, v1;
	s19 =	sadd.s32 $0x40, s16;
	s24 =	sadd.s32 $0x50, s16;
	v10 =	vld.idx.msk [tilespmem:v10+s29+$0x0], $0xffff;
	[tilespmem:v18+s31+$0x0] =	vst.idx.msk $0xffff, v16  }
0x1cf: {  	p2 =	slt.u32 s16, $0x2080;
	s16 =	sadd.s32 $0x80, s16;
	v2 =	vor.u32 s19, v1;
	v16 =	vor.u32 s24, v1;
	s19 =	sadd.s32 $0x70, s18;
	[tilespmem:v8+s31+$0x0] =	vst.idx.msk $0xffff, v15;
	v7 =	vld.idx.msk [tilespmem:v7+s29+$0x0], $0xffff;
	v8 =	vor.u32 v19, v20  }
0x1d0: {  	v15 =	vmulhi.u32 $0x3E0F83E1, v23;
	v19 =	vand.u32 $0xFFFFFF80, v17;
	v18 =	vor.u32 s19, v1;
	v4 =	vld.idx.msk [tilespmem:v4+s29+$0x0], $0xffff  }
0x1d1: {  	v24 =	vor.u32 s13, v1;
	v20 =	vmulhi.u32 $0x3E0F83E1, v22;
	v11 =	vadd.s32 v11, v19;
	v5 =	vld.idx.msk [tilespmem:v5+s29+$0x0], $0xffff  }
0x1d2: {  	v3 =	vor.u32 v13, v3;
	v19 =	vmulhi.u32 $0x3E0F83E1, v16;
	[tilespmem:v6+s31+$0x0] =	vst.idx.msk $0xffff, v14;
	v6 =	vand.u32 $0x7F, v17  }
0x1d3: {  	v13 =	vor.u32 s12, v1;
	v14 =	vmulhi.u32 $0x3E0F83E1, v2;
	[tilespmem:v9+s31+$0x0] =	vst.idx.msk $0xffff, v12;
	v6 =	vor.u32 v6, v11  }
0x1d4: {  	v9 =	vshrl.u32 v20, $0x3;
	v11 =	vmulhi.u32 $0x3E0F83E1, v18;
	[tilespmem:v21+s31+$0x0] =	vst.idx.msk $0xffff, v10  }
0x1d5: {  	v17 =	vmulhi.u32 $0x3E0F83E1, v24;
	v12 =	vshrl.u32 v19, $0x3;
	v10 =	vmul.u32 $0xFFFFFFDF, v9;
	[tilespmem:v8+s31+$0x0] =	vst.idx.msk $0xffff, v7  }
0x1d6: {  	v7 =	vmul.u32 $0xFFFFFFDF, v12;
	v8 =	vshll.u32 v12, $0x7;
	v11 =	vshrl.u32 v11, $0x3  }
0x1d7: {  	v15 =	vshrl.u32 v15, $0x3;
	v17 =	vshrl.u32 v17, $0x3;
	v12 =	vshll.u32 v11, $0x7;
	[tilespmem:v3+s31+$0x0] =	vst.idx.msk $0xffff, v4  }
0x1d8: {  	v3 =	vmulhi.u32 $0x3E0F83E1, v13;
	v4 =	vadd.s32 v16, v7;
	v7 =	vmul.u32 $0xFFFFFFDF, v11;
	[tilespmem:v6+s31+$0x0] =	vst.idx.msk $0xffff, v5  }
0x1d9: {  	v20 =	vshll.u32 v15, $0x7;
	v5 =	vadd.s32 v22, v10;
	v10 =	vand.u32 $0xFFFFFF80, v4  }
0x1da: {  	v19 =	vmul.u32 $0xFFFFFFDF, v17;
	v11 =	vor.u32 s18, v1;
	v16 =	vshrl.u32 v3, $0x3  }
0x1db: {  	v3 =	vmulhi.u32 $0x3E0F83E1, v11;
	v25 =	vadd.s32 v18, v7;
	v6 =	vmul.u32 $0xFFFFFFDF, v16;
	v21 =	vld [tilespmem:s17+$0x10]  }
0x1dc: {  	v26 =	vand.u32 $0x7F, v4;
	v7 =	vand.u32 $0xFFFFFF80, v5;
	v22 =	vand.u32 $0x7F, v5;
	v18 =	vld [tilespmem:s17+$0xFFFFFFD0]  }
0x1dd: {  	v27 =	vshrl.u32 v3, $0x3;
	v3 =	vand.u32 $0xFFFFFF80, v25;
	v6 =	vadd.s32 v13, v6;
	v4 =	vld [tilespmem:s17+$0x30]  }
0x1de: {  	v13 =	vmul.u32 $0xFFFFFFDF, v27;
	v3 =	vadd.s32 v12, v3;
	v28 =	vand.u32 $0xFFFFFF80, v6;
	v5 =	vld [tilespmem:s17+$0x0]  }
0x1df: {  	v9 =	vshll.u32 v9, $0x7;
	v30 =	vshll.u32 v16, $0x7;
	v6 =	vand.u32 $0x7F, v6;
	v29 =	vld [tilespmem:s17+$0xFFFFFFF0]  }
0x1e0: {  	v31 =	vadd.s32 v8, v10;
	v11 =	vadd.s32 v11, v13;
	v13 =	vmul.u32 $0xFFFFFFDF, v15;
	v12 =	vld [tilespmem:s17+$0xFFFFFFC0]  }
0x1e1: {  	v33 =	vshll.u32 v17, $0x7;
	v8 =	vand.u32 $0xFFFFFF80, v11;
	v32 =	vand.u32 $0x7F, v11;
	v10 =	vld [tilespmem:s17+$0xFFFFFFE0]  }
0x1e2: {  	v14 =	vshrl.u32 v14, $0x3;
	v9 =	vadd.s32 v9, v7;
	v11 =	vshll.u32 v27, $0x7;
	v7 =	vld [tilespmem:s17+$0x20]  }
.Ltmp8:
0x1e3: {  	v27 =	vadd.s32 v11, v8;
	v8 =	vor.u32 v22, v9;
	v9 =	vadd.s32 v23, v13;
	v16 =	vld.idx.msk [tilespmem:v21+s29+$0x0], $0xffff;
	(pc) =	sbr.rel @p2 .LBB2_15-.Ltmp8, $4  }
0x1e4: {  	v17 =	vmul.u32 $0xFFFFFFDF, v14;
	v19 =	vadd.s32 v24, v19;
	v15 =	vld.idx.msk [tilespmem:v18+s29+$0x0], $0xffff;
	v18 =	vor.u32 v26, v31  }
0x1e5: {  	v11 =	vshll.u32 v14, $0x7;
	v13 =	vand.u32 $0xFFFFFF80, v9;
	v21 =	vand.u32 $0x7F, v9  }
0x1e6: {  	v22 =	vadd.s32 v20, v13;
	v20 =	vand.u32 $0xFFFFFF80, v19;
	v13 =	vand.u32 $0x7F, v25  }
0x1e7: {  	v23 =	vadd.s32 v30, v28;
	s17 =	sadd.s32 $0x80, s17;
	v9 =	vor.u32 v32, v27;
	v20 =	vadd.s32 v33, v20;
	v14 =	vld.idx.msk [tilespmem:v29+s29+$0x0], $0xffff  }
0x1e8: {  	_ =	sdelay $0x2  }
0x1e9: {  	v6 =	vor.u32 v6, v23  }
0x1ea: {  	v12 =	vld.idx.msk [tilespmem:v12+s29+$0x0], $0xffff  }
0x1eb: {  	v21 =	vor.u32 v21, v22;
	v10 =	vld.idx.msk [tilespmem:v10+s29+$0x0], $0xffff;
	v2 =	vadd.s32 v2, v17;
	[tilespmem:v18+s31+$0x0] =	vst.idx.msk $0xffff, v16  }
0x1ec: {  	v19 =	vand.u32 $0x7F, v19;
	v4 =	vld.idx.msk [tilespmem:v4+s29+$0x0], $0xffff;
	v3 =	vor.u32 v13, v3;
	[tilespmem:v8+s31+$0x0] =	vst.idx.msk $0xffff, v15;
	v15 =	vand.u32 $0xFFFFFF80, v2  }
0x1ed: {  	v7 =	vld.idx.msk [tilespmem:v7+s29+$0x0], $0xffff;
	v8 =	vor.u32 v19, v20;
	v2 =	vand.u32 $0x7F, v2;
	v11 =	vadd.s32 v11, v15  }
0x1ee: {  	v5 =	vld.idx.msk [tilespmem:v5+s29+$0x0], $0xffff;
	p2 =	seq.s32 s14, $0x1F;
	v2 =	vor.u32 v2, v11;
	[tilespmem:v6+s31+$0x0] =	vst.idx.msk $0xffff, v14  }
0x1ef: {  	s12 =	sadd.s32 @!p2 s15, s20;
	[tilespmem:v9+s31+$0x0] =	vst.idx.msk $0xffff, v12  }
0x1f0: {  	s12 =	sshll.u32 @!p2 s12, $0xD;
	[tilespmem:v21+s31+$0x0] =	vst.idx.msk $0xffff, v10  }
0x1f1: {  	s17 =	simm.s32 $0x10;
	s12 =	sadd.s32 @!p2 $0xFFFF4000, s12;
	[tilespmem:v3+s31+$0x0] =	vst.idx.msk $0xffff, v4  }
0x1f2: {  	s24 =	simm.s32 $0x60;
	s8 =	simm.s32 $0x70;
	s12 =	sshrl.u32 @!p2 s12, $0x3;
	[tilespmem:v8+s31+$0x0] =	vst.idx.msk $0xffff, v7  }
0x1f3: {  	s13 =	simm.s32 @!p2 $0x0;
	s16 =	simm.s32 @!p2 $0x8680;
	v11 =	vor.u32 s24, v1;
	s12 =	sadd.s32 @!p2 s1, s12;
	[tilespmem:v2+s31+$0x0] =	vst.idx.msk $0xffff, v5  }
0x1f4: {  	v15 =	vmulhi.u32 $0x3E0F83E1, v11;
	[tilespmem:s16], [sflag:$0x1] =	stream.linear.gather @!p2 [hbm4b:s12+s13], $0x2000, $0x38;
	[tilespmem:$0x1C680] =	vst v63  }
0x1f5: {  	v3 =	vor.u32 s17, v1;
	v9 =	vor.u32 s8, v1;
	s16 =	simm.s32 $0x20  }
0x1f6: {  	s18 =	simm.s32 $0x50;
	v6 =	vmulhi.u32 $0x3E0F83E1, v3;
	v15 =	vshrl.u32 v15, $0x3;
	v7 =	vor.u32 s16, v1;
	s16 =	sshll.u32 s14, $0x12  }
0x1f7: {  	s19 =	simm.s32 $0x40;
	v13 =	vmulhi.u32 $0x3E0F83E1, v9;
	v20 =	vmul.u32 $0xFFFFFFDF, v15;
	v5 =	vor.u32 s18, v1;
	s17 =	sadd.s32 s16, s21  }
0x1f8: {  	v31 =	vshll.u32 v15, $0x7;
	v2 =	vor.u32 s19, v1;
	s18 =	simm.s32 $0x30;
	v8 =	vmulhi.u32 $0x3E0F83E1, v5;
	s17 =	sshrl.u32 s17, $0x3  }
0x1f9: {  	v6 =	vshrl.u32 v6, $0x3;
	s19 =	simm.s32 $0x0;
	v10 =	vmulhi.u32 $0x3E0F83E1, v2;
	v12 =	vor.u32 s18, v1;
	s12 =	sadd.s32 s4, s17  }
0x1fa: {  	v14 =	vmul.u32 $0xFFFFFFDF, v6;
	v19 =	vor.u32 s19, v1;
	v18 =	vmulhi.u32 $0x3E0F83E1, v12;
	[hbm4b:s12+s2] =	stream.linear.scatter [tilespmem:s31], [sflag:$0x3], $0x8000, $0x38;
	[tilespmem:$0x1C680] =	vst v63  }
0x1fb: {  	v13 =	vshrl.u32 v13, $0x3;
	v27 =	vshll.u32 v6, $0x7;
	v21 =	vmulhi.u32 $0x3E0F83E1, v19;
	_ =	swait.ge [sflag:s6], $0x2000  }
0x1fc: {  	v4 =	vmulhi.u32 $0x3E0F83E1, v7;
	v8 =	vshrl.u32 v8, $0x3;
	v3 =	vadd.s32 v3, v14;
	[sflag:s6] =	ssyncset.done $0x0  }
0x1fd: {  	v63 =	vshrl.u32 v10, $0x3;
	v16 =	vmul.u32 $0xFFFFFFDF, v8;
	v8 =	vshll.u32 v8, $0x7;
	s12 =	simm.s32 @!p1 $0x4;
	[sflag:s6] =	ssyncadd.s32 $0xFFFFE000  }
0x1fe: {  	v18 =	vshrl.u32 v18, $0x3;
	v23 =	vand.u32 $0x7F, v3;
	v21 =	vshrl.u32 v21, $0x3;
	_ =	swait.ge @!p1 [sflag:s12], $0x8000  }
0x1ff: {  	v17 =	vshrl.u32 v4, $0x3;
	v4 =	vshll.u32 v13, $0x7;
	v13 =	vmul.u32 $0xFFFFFFDF, v13;
	[sflag:s12] =	ssyncset.done @!p1 $0x0  }
0x200: {  	s24 =	simm.s32 $0x6440;
	v22 =	vmul.u32 $0xFFFFFFDF, v18;
	v29 =	vshll.u32 v18, $0x7;
	v5 =	vadd.s32 v5, v16;
	[sflag:s12] =	ssyncadd.s32 @!p1 $0xFFFF8000  }
0x201: {  	v15 =	vshll.u32 v21, $0x7;
	v16 =	vand.u32 $0xFFFFFF80, v5;
	v9 =	vadd.s32 v9, v13;
	v25 =	vld [tilespmem:s24+$0x10]  }
0x202: {  	v24 =	vand.u32 $0x7F, v5;
	v5 =	vadd.s32 v12, v22;
	v12 =	vmul.u32 $0xFFFFFFDF, v21;
	v22 =	vld [tilespmem:s24+$0xFFFFFFD0]  }
0x203: {  	v14 =	vshll.u32 v17, $0x7;
	v13 =	vand.u32 $0xFFFFFF80, v3;
	v3 =	vand.u32 $0xFFFFFF80, v9;
	v28 =	vld [tilespmem:s24+$0xFFFFFFF0]  }
0x204: {  	v17 =	vmul.u32 $0xFFFFFFDF, v17;
	v3 =	vadd.s32 v4, v3;
	v12 =	vadd.s32 v19, v12;
	v4 =	vld [tilespmem:s24+$0x30]  }
0x205: {  	v16 =	vadd.s32 v8, v16;
	v8 =	vand.u32 $0xFFFFFF80, v12;
	v30 =	vand.u32 $0x7F, v12;
	v12 =	vld [tilespmem:s24+$0xFFFFFFC0]  }
0x206: {  	v26 =	vand.u32 $0xFFFFFF80, v5;
	v6 =	vand.u32 $0x7F, v5;
	v13 =	vadd.s32 v27, v13;
	v10 =	vld [tilespmem:s24+$0xFFFFFFE0]  }
0x207: {  	v32 =	vadd.s32 v15, v8;
	v8 =	vor.u32 v23, v13;
	v13 =	vadd.s32 v7, v17;
	v7 =	vld [tilespmem:s24+$0x20]  }
0x208: {  	v18 =	vor.u32 v24, v16;
	v19 =	vadd.s32 v11, v20;
	v11 =	vshll.u32 v63, $0x7;
	v5 =	vld [tilespmem:s24+$0x0]  }
0x209: {  	v17 =	vmul.u32 $0xFFFFFFDF, v63;
	v23 =	vadd.s32 v29, v26;
	v20 =	vand.u32 $0xFFFFFF80, v13;
	v16 =	vld.idx.msk [tilespmem:v25+s30+$0x0], $0xffff  }
0x20a: {  	v21 =	vand.u32 $0x7F, v13;
	v15 =	vld.idx.msk [tilespmem:v22+s30+$0x0], $0xffff;
	v22 =	vadd.s32 v14, v20;
	v20 =	vand.u32 $0xFFFFFF80, v19  }
0x20b: {  	s18 =	simm.s32 $0x64C0;
	s17 =	simm.s32 $0x80;
	v13 =	vand.u32 $0x7F, v9;
	v9 =	vor.u32 v30, v32;
	v14 =	vld.idx.msk [tilespmem:v28+s30+$0x0], $0xffff;
	v20 =	vadd.s32 v31, v20  }
.LBB2_17:
0x20c: {  	s12 =	sadd.s32 $0x10, s17  }
0x20d: {  	s13 =	sadd.s32 $0x20, s17;
	s24 =	sadd.s32 $0x30, s17;
	v12 =	vld.idx.msk [tilespmem:v12+s30+$0x0], $0xffff;
	v21 =	vor.u32 v21, v22;
	v6 =	vor.u32 v6, v23;
	v19 =	vand.u32 $0x7F, v19;
	s19 =	smov.u32 s17  }
0x20e: {  	s8 =	sadd.s32 $0x60, s17;
	v17 =	vadd.s32 v2, v17;
	v22 =	vor.u32 s12, v1;
	v23 =	vor.u32 s13, v1;
	s12 =	sadd.s32 $0x40, s17;
	s13 =	sadd.s32 $0x50, s17;
	v10 =	vld.idx.msk [tilespmem:v10+s30+$0x0], $0xffff;
	[tilespmem:v18+s7+$0x0] =	vst.idx.msk $0xffff, v16  }
0x20f: {  	p1 =	slt.u32 s17, $0x2080;
	s17 =	sadd.s32 $0x80, s17;
	v2 =	vor.u32 s12, v1;
	v16 =	vor.u32 s13, v1;
	s12 =	sadd.s32 $0x70, s19;
	[tilespmem:v8+s7+$0x0] =	vst.idx.msk $0xffff, v15;
	v7 =	vld.idx.msk [tilespmem:v7+s30+$0x0], $0xffff;
	v8 =	vor.u32 v19, v20  }
0x210: {  	v15 =	vmulhi.u32 $0x3E0F83E1, v23;
	v19 =	vand.u32 $0xFFFFFF80, v17;
	v18 =	vor.u32 s12, v1;
	v4 =	vld.idx.msk [tilespmem:v4+s30+$0x0], $0xffff  }
0x211: {  	v24 =	vor.u32 s8, v1;
	v20 =	vmulhi.u32 $0x3E0F83E1, v22;
	v11 =	vadd.s32 v11, v19;
	v5 =	vld.idx.msk [tilespmem:v5+s30+$0x0], $0xffff  }
0x212: {  	v3 =	vor.u32 v13, v3;
	v19 =	vmulhi.u32 $0x3E0F83E1, v16;
	[tilespmem:v6+s7+$0x0] =	vst.idx.msk $0xffff, v14;
	v6 =	vand.u32 $0x7F, v17  }
0x213: {  	v13 =	vor.u32 s24, v1;
	v14 =	vmulhi.u32 $0x3E0F83E1, v2;
	[tilespmem:v9+s7+$0x0] =	vst.idx.msk $0xffff, v12;
	v6 =	vor.u32 v6, v11  }
0x214: {  	v9 =	vshrl.u32 v20, $0x3;
	v11 =	vmulhi.u32 $0x3E0F83E1, v18;
	[tilespmem:v21+s7+$0x0] =	vst.idx.msk $0xffff, v10  }
0x215: {  	v17 =	vmulhi.u32 $0x3E0F83E1, v24;
	v12 =	vshrl.u32 v19, $0x3;
	v10 =	vmul.u32 $0xFFFFFFDF, v9;
	[tilespmem:v8+s7+$0x0] =	vst.idx.msk $0xffff, v7  }
0x216: {  	v7 =	vmul.u32 $0xFFFFFFDF, v12;
	v8 =	vshll.u32 v12, $0x7;
	v11 =	vshrl.u32 v11, $0x3  }
0x217: {  	v15 =	vshrl.u32 v15, $0x3;
	v17 =	vshrl.u32 v17, $0x3;
	v12 =	vshll.u32 v11, $0x7;
	[tilespmem:v3+s7+$0x0] =	vst.idx.msk $0xffff, v4  }
0x218: {  	v3 =	vmulhi.u32 $0x3E0F83E1, v13;
	v4 =	vadd.s32 v16, v7;
	v7 =	vmul.u32 $0xFFFFFFDF, v11;
	[tilespmem:v6+s7+$0x0] =	vst.idx.msk $0xffff, v5  }
0x219: {  	v20 =	vshll.u32 v15, $0x7;
	v5 =	vadd.s32 v22, v10;
	v10 =	vand.u32 $0xFFFFFF80, v4  }
0x21a: {  	v19 =	vmul.u32 $0xFFFFFFDF, v17;
	v11 =	vor.u32 s19, v1;
	v16 =	vshrl.u32 v3, $0x3  }
0x21b: {  	v3 =	vmulhi.u32 $0x3E0F83E1, v11;
	v25 =	vadd.s32 v18, v7;
	v6 =	vmul.u32 $0xFFFFFFDF, v16;
	v21 =	vld [tilespmem:s18+$0x10]  }
0x21c: {  	v26 =	vand.u32 $0x7F, v4;
	v7 =	vand.u32 $0xFFFFFF80, v5;
	v22 =	vand.u32 $0x7F, v5;
	v18 =	vld [tilespmem:s18+$0xFFFFFFD0]  }
0x21d: {  	v27 =	vshrl.u32 v3, $0x3;
	v3 =	vand.u32 $0xFFFFFF80, v25;
	v6 =	vadd.s32 v13, v6;
	v4 =	vld [tilespmem:s18+$0x30]  }
0x21e: {  	v13 =	vmul.u32 $0xFFFFFFDF, v27;
	v3 =	vadd.s32 v12, v3;
	v28 =	vand.u32 $0xFFFFFF80, v6;
	v5 =	vld [tilespmem:s18+$0x0]  }
0x21f: {  	v9 =	vshll.u32 v9, $0x7;
	v30 =	vshll.u32 v16, $0x7;
	v6 =	vand.u32 $0x7F, v6;
	v29 =	vld [tilespmem:s18+$0xFFFFFFF0]  }
0x220: {  	v31 =	vadd.s32 v8, v10;
	v11 =	vadd.s32 v11, v13;
	v13 =	vmul.u32 $0xFFFFFFDF, v15;
	v12 =	vld [tilespmem:s18+$0xFFFFFFC0]  }
0x221: {  	v33 =	vshll.u32 v17, $0x7;
	v8 =	vand.u32 $0xFFFFFF80, v11;
	v32 =	vand.u32 $0x7F, v11;
	v10 =	vld [tilespmem:s18+$0xFFFFFFE0]  }
0x222: {  	v14 =	vshrl.u32 v14, $0x3;
	v9 =	vadd.s32 v9, v7;
	v11 =	vshll.u32 v27, $0x7;
	v7 =	vld [tilespmem:s18+$0x20]  }
.Ltmp9:
0x223: {  	v27 =	vadd.s32 v11, v8;
	v8 =	vor.u32 v22, v9;
	v9 =	vadd.s32 v23, v13;
	v16 =	vld.idx.msk [tilespmem:v21+s30+$0x0], $0xffff;
	(pc) =	sbr.rel @p1 .LBB2_17-.Ltmp9, $4  }
0x224: {  	v17 =	vmul.u32 $0xFFFFFFDF, v14;
	v19 =	vadd.s32 v24, v19;
	v15 =	vld.idx.msk [tilespmem:v18+s30+$0x0], $0xffff;
	v18 =	vor.u32 v26, v31  }
0x225: {  	v11 =	vshll.u32 v14, $0x7;
	v13 =	vand.u32 $0xFFFFFF80, v9;
	v21 =	vand.u32 $0x7F, v9  }
0x226: {  	v22 =	vadd.s32 v20, v13;
	v20 =	vand.u32 $0xFFFFFF80, v19;
	v13 =	vand.u32 $0x7F, v25  }
0x227: {  	v23 =	vadd.s32 v30, v28;
	s18 =	sadd.s32 $0x80, s18;
	v9 =	vor.u32 v32, v27;
	v20 =	vadd.s32 v33, v20;
	v14 =	vld.idx.msk [tilespmem:v29+s30+$0x0], $0xffff  }
0x228: {  	_ =	sdelay $0x3  }
0x229: {  	v6 =	vor.u32 v6, v23;
	v12 =	vld.idx.msk [tilespmem:v12+s30+$0x0], $0xffff  }
0x22a: {  	v10 =	vld.idx.msk [tilespmem:v10+s30+$0x0], $0xffff  }
0x22b: {  	v21 =	vor.u32 v21, v22;
	v2 =	vadd.s32 v2, v17;
	v7 =	vld.idx.msk [tilespmem:v7+s30+$0x0], $0xffff  }
0x22c: {  	v19 =	vand.u32 $0x7F, v19;
	[tilespmem:v18+s7+$0x0] =	vst.idx.msk $0xffff, v16;
	v4 =	vld.idx.msk [tilespmem:v4+s30+$0x0], $0xffff;
	v3 =	vor.u32 v13, v3;
	v63 =	vand.u32 $0xFFFFFF80, v2  }
0x22d: {  	[tilespmem:v8+s7+$0x0] =	vst.idx.msk $0xffff, v15;
	v62 =	vor.u32 v19, v20;
	v2 =	vand.u32 $0x7F, v2;
	v11 =	vadd.s32 v11, v63  }
0x22e: {  	v5 =	vld.idx.msk [tilespmem:v5+s30+$0x0], $0xffff;
	v2 =	vor.u32 v2, v11;
	[tilespmem:v6+s7+$0x0] =	vst.idx.msk $0xffff, v14  }
0x22f: {  	s8 =	sadd.s32 @!p2 s15, s22;
	[tilespmem:v9+s7+$0x0] =	vst.idx.msk $0xffff, v12  }
0x230: {  	s8 =	sshll.u32 @!p2 s8, $0xD;
	[tilespmem:v21+s7+$0x0] =	vst.idx.msk $0xffff, v10  }
0x231: {  	s12 =	simm.s32 @!p2 $0x0;
	s14 =	sadd.s32 $0x1, s14;
	s8 =	sadd.s32 @!p2 $0xFFFF4000, s8;
	[tilespmem:v3+s7+$0x0] =	vst.idx.msk $0xffff, v4  }
0x232: {  	s13 =	simm.s32 @!p2 $0xA680;
	p1 =	sne.s32 s14, $0x20;
	s8 =	sshrl.u32 @!p2 s8, $0x3;
	[tilespmem:v62+s7+$0x0] =	vst.idx.msk $0xffff, v7  }
.Ltmp10:
0x233: {  	s24 =	sadd.s32 s16, s23;
	s8 =	sadd.s32 @!p2 s1, s8;
	[tilespmem:v2+s7+$0x0] =	vst.idx.msk $0xffff, v5;
	(pc) =	sbr.rel @p1 .LBB2_14-.Ltmp10, $4  }
0x234: {  	[tilespmem:s13], [sflag:$0x2] =	stream.linear.gather @!p2 [hbm4b:s8+s12], $0x2000, $0x38;
	[tilespmem:$0x1C680] =	vst v63  }
0x235: {  	s8 =	sshrl.u32 s24, $0x3  }
0x236: {  	s8 =	sadd.s32 s4, s8  }
0x237: {  	[hbm4b:s8+s2] =	stream.linear.scatter [tilespmem:s7], [sflag:$0x4], $0x8000, $0x38;
	[tilespmem:$0x1C680] =	vst v63  }
0x238: {  	s8 =	simm.s32 $0x3  }
0x239: {  	_ =	swait.ge [sflag:s8], $0x8000  }
0x23a: {  	[sflag:s8] =	ssyncset.done $0x0  }
0x23b: {  	[sflag:s8] =	ssyncadd.s32 $0xFFFF8000  }
0x23c: {  	_ =	swait.ge [sflag:s9], $0x8000  }
0x23d: {  	s10 =	sadd.s32 $0x1, s10;
	s24 =	rddreg [dreg:$0x12]  }
0x23e: {  	p1 =	sne.s32 s10, s24  }
.Ltmp11:
0x23f: {  	_ = 	snop;
	(pc) =	sbr.rel @p1 .LBB2_1-.Ltmp11, $3  }
0x240: {  	_ =	sdelay $0x1  }
0x241: {  	[sflag:s9] =	ssyncset.done $0x0  }
0x242: {  	[sflag:s9] =	ssyncadd.s32 $0xFFFF8000  }
0x243: {  	_ =	sfence.sel $0x180000  }
0x244: {  	[bflag:$0x0] =	sbarrier.arrive $0xFFFF  }
0x245: {  	_ =	strace $0x90000047  }
0x246: {  	s0 =	stileid.u32;
	[bflag:$0x2] =	sbarrier.arrive $0xFFFF  }
0x247: {  	p0 =	sne.s32 s0, $0x0;
	s0 =	rddreg [dreg:$0x2]  }
0x248: {  	s0 =	sadd.s32 @!p0 $0x100000, s0  }
0x249: {  	[sflag:s0] =	ssyncadd.tile.s32 @!p0 $0x1;
	_ =	shalt  }
.Lfunc_end2:
_tile_overlayer_lowered:
.L_overlay_start_2:
0x24a: {  	(tag) =	ssettag $0x2  }
0x24b: {  	s0 =	rddreg [dreg:$0x0];
	s2 =	stileid.u32  }
0x24c: {  	s1 =	rddreg [dreg:$0x1];
	p0 =	sne.s32 s2, $0x0  }
0x24d: {  	s3 =	rddreg [dreg:$0x2];
	[bflag:$0x3] =	sbarrier.arrive $0xFFFF;
	s2 =	simm.s32 @!p0 $0x1C05  }
0x24e: {  	[timem:s3], [sflag:s2] =	dma.local @!p0 [hbm:s0], s1  }
0x24f: {  	s0 =	simm.s32 @!p0 $0x5  }
0x250: {  	_ =	swait.ge @!p0 [sflag:s0], s1  }
0x251: {  	s1 =	ssub.s32 @!p0 $0x0, s1;
	[sflag:s0] =	ssyncset.done @!p0 $0x0  }
0x252: {  	[sflag:s0] =	ssyncadd.s32 @!p0 s1  }
0x253: {  	[bflag:$0x3] =	sbarrier.arrive $0xFFFF  }
0x254: {  	_ =	shalt  }

</sc_bundles>
